<compile_context>
chip_gen: v7x
topology: tpu7x:2x2x1
jax: 0.10.2.dev20260603
libtpu: 0.0.44.dev20260713+nightly
codegen_flags: <defaults>
</compile_context>

<pallas_src>
import dataclasses
import functools

import jax
import jax.numpy as jnp
from jax import lax
from jax.experimental import pallas as pl
from jax.experimental.pallas import tpu as pltpu
from jax.experimental.pallas import tpu_sc as plsc

N_MAX_K = 12
ROWS, COLS = 4096, 8192
BLK_ROWS = 256
N_BLKS = ROWS // BLK_ROWS
LAT_N = 1000000
NEG_INF = float("-inf")
I32_MAX = 2147483647

NC, NS = 2, 16
NW = NC * NS
L = 16
PER = 31248
TAIL = LAT_N - NW * PER
CHUNKS = PER // L
TAIL_CHUNKS = TAIL // L
SLOTS = 128
CAND = SLOTS * L
GRP = 63
NGRP = CHUNKS // GRP


def _l1_body(t_ref, p_ref, o_ref):
    s = jnp.sum(jnp.abs(t_ref[...] - p_ref[...]))
    lane = jax.lax.broadcasted_iota(jnp.int32, (1, 1, 128), 2)
    o_ref[...] = jnp.where(lane == 0, s, 0.0)


def _sc_topk_body(lat_hbm, oval_hbm, oidx_hbm, xbuf, vbuf, ibuf, gmbuf, sem):
    wid = lax.axis_index("s") * NC + lax.axis_index("c")
    base = wid * PER
    is_last = wid == NW - 1

    pltpu.async_copy(
        lat_hbm.at[pl.ds(base, PER)], xbuf.at[pl.ds(0, PER)], sem).wait()

    @pl.when(is_last)
    def _():
        pltpu.async_copy(
            lat_hbm.at[pl.ds(NW * PER, TAIL)],
            xbuf.at[pl.ds(PER, TAIL)], sem).wait()

    ng = jnp.where(is_last, NGRP + 1, NGRP)
    neg16 = jnp.full((L,), NEG_INF, jnp.float32)
    i16 = jax.lax.broadcasted_iota(jnp.int32, (L,), 0)

    def p1(g, m):
        cnt = jnp.where(g == NGRP, TAIL_CHUNKS, GRP)

        def inner(c, gm):
            return jnp.maximum(gm, xbuf[pl.ds((g * GRP + c) * L, L)])

        gm = lax.fori_loop(0, cnt, inner, neg16)
        gmbuf[pl.ds(g * L, L)] = gm
        return jnp.maximum(m, gm)

    m16 = lax.fori_loop(0, ng, p1, neg16)

    srt, _ = plsc.sort_key_val(m16, m16)
    tau = jnp.max(jnp.where(i16 == 4, srt, NEG_INF))

    def pinit(i, _):
        vbuf[pl.ds(i * L, L)] = neg16
        return 0

    lax.fori_loop(0, SLOTS, pinit, 0)

    def p2(g, slot):
        gm = gmbuf[pl.ds(g * L, L)]
        gmax = jnp.max(gm)

        def hit(s0):
            cnt = jnp.where(g == NGRP, TAIL_CHUNKS, GRP)

            def inner(c, s):
                i = g * GRP + c
                v = xbuf[pl.ds(i * L, L)]
                mv = jnp.max(v)

                @pl.when(mv >= tau)
                def _():
                    vbuf[pl.ds(s * L, L)] = v
                    ibuf[pl.ds(s * L, L)] = base + i * L + i16

                return jnp.where(mv >= tau,
                                 jnp.minimum(s + 1, SLOTS - 1), s)

            return lax.fori_loop(0, cnt, inner, s0)

        return lax.cond(gmax >= tau, hit, lambda s0: s0, slot)

    lax.fori_loop(0, ng, p2, 0)

    pltpu.sync_copy(vbuf, oval_hbm.at[wid])
    pltpu.sync_copy(ibuf, oidx_hbm.at[wid])


_sc_cp = pltpu.CompilerParams()
if "needs_layout_passes" in pltpu.CompilerParams.__dataclass_fields__:
    _sc_cp = dataclasses.replace(_sc_cp, needs_layout_passes=False)

_sc_topk = functools.partial(
    pl.kernel,
    compiler_params=_sc_cp,
    out_type=[
        jax.ShapeDtypeStruct((NW, CAND), jnp.float32),
        jax.ShapeDtypeStruct((NW, CAND), jnp.int32),
    ],
    mesh=plsc.VectorSubcoreMesh(core_axis_name="c", subcore_axis_name="s"),
    scratch_types=[
        pltpu.VMEM((PER + TAIL,), jnp.float32),
        pltpu.VMEM((CAND,), jnp.float32),
        pltpu.VMEM((CAND,), jnp.int32),
        pltpu.VMEM(((NGRP + 1) * L,), jnp.float32),
        pltpu.SemaphoreType.DMA,
    ],
)(_sc_topk_body)


def _refine_body(cv_ref, ci_ref, r_ref, l1_ref, o_ref, csem, c_smem):
    x = cv_ref[...]
    gi = ci_ref[...]

    removed = []
    for _ in range(N_MAX_K):
        m = jnp.max(x)
        avail = x == m
        idx_k = jnp.min(jnp.where(avail, gi, I32_MAX))
        x = jnp.where(avail & (gi == idx_k), NEG_INF, x)
        removed.append(jnp.minimum(idx_k, LAT_N - 1))

    copies = []
    subs = []
    for k, idx in enumerate(removed):
        bcol = (idx // 128) * 128
        subs.append(idx - bcol)
        cp = pltpu.make_async_copy(
            r_ref.at[:, pl.ds(bcol, 128)], c_smem.at[k], csem)
        cp.start()
        copies.append(cp)
    for cp in copies:
        cp.wait()

    r16 = jax.lax.broadcasted_iota(jnp.int32, (16, 128), 0)
    c16 = jax.lax.broadcasted_iota(jnp.int32, (16, 128), 1)
    zero = jnp.zeros((16, 128), jnp.float32)
    a = [zero, zero, zero]
    b = [zero, zero, zero]
    for k in range(N_MAX_K):
        for d in range(3):
            v = c_smem[k, d, subs[k]]
            a[d] = jnp.where(r16 == k, v, a[d])
            b[d] = jnp.where(c16 == k, v, b[d])
    d2 = ((a[0] - b[0]) ** 2 + (a[1] - b[1]) ** 2 + (a[2] - b[2]) ** 2)
    valid = (r16 < N_MAX_K) & (c16 < N_MAX_K)
    pd_sum = 0.5 * jnp.sum(jnp.where(valid, jnp.sqrt(d2), 0.0))

    l1_total = l1_ref[0, 0, 0]
    for i in range(1, N_BLKS):
        l1_total += l1_ref[i, 0, 0]

    o_ref[0, 0] = l1_total / (ROWS * COLS) + pd_sum / N_MAX_K


@jax.jit
def kernel(target, pred, latent, R_xyz):
    l1_parts = pl.pallas_call(
        _l1_body,
        grid=(N_BLKS,),
        in_specs=[
            pl.BlockSpec((BLK_ROWS, COLS), lambda i: (i, 0)),
            pl.BlockSpec((BLK_ROWS, COLS), lambda i: (i, 0)),
        ],
        out_specs=pl.BlockSpec((1, 1, 128), lambda i: (i, 0, 0)),
        out_shape=jax.ShapeDtypeStruct((N_BLKS, 1, 128), jnp.float32),
        compiler_params=pltpu.CompilerParams(
            dimension_semantics=("parallel",),
        ),
    )(target, pred)

    cand_val, cand_idx = _sc_topk(latent)

    total = pl.pallas_call(
        _refine_body,
        in_specs=[
            pl.BlockSpec((NW, CAND), lambda: (0, 0)),
            pl.BlockSpec((NW, CAND), lambda: (0, 0)),
            pl.BlockSpec(memory_space=pl.ANY),
            pl.BlockSpec(memory_space=pltpu.SMEM),
        ],
        out_specs=pl.BlockSpec(memory_space=pltpu.SMEM),
        out_shape=jax.ShapeDtypeStruct((1, 1), jnp.float32),
        scratch_shapes=[
            pltpu.SemaphoreType.DMA,
            pltpu.SMEM((N_MAX_K, 3, 128), jnp.float32),
        ],
    )(cand_val, cand_idx, R_xyz, l1_parts)

    return total.reshape(())

# --- scband reference (transcript-rebuilt; emitter-appended) ---
"""Pipeline reference for scband-l1-reg-loss-13950053778113 (READ-ONLY COPY).

The authoritative reference and input builder live on the scoring server;
editing this copy changes nothing except your own understanding.
"""

import jax, jax.numpy as jnp
import numpy as np

N_MAX = 12

def setup_inputs(seed: int = 0) -> dict:
    key = jax.random.key(seed)
    k1, k2, k3, k4 = jax.random.split(key, 4)
    target = jax.random.normal(k1, (4096, 8192), dtype=jnp.float32)
    pred = jax.random.normal(k2, (4096, 8192), dtype=jnp.float32)
    latent = jax.random.normal(k3, (1000000,), dtype=jnp.float32)
    # R_xyz buffer from get_field(): 3D coordinate field, one xyz per latent unit
    R_xyz = jax.random.normal(k4, (3, 1000000), dtype=jnp.float32)
    return {"target": target, "pred": pred, "latent": latent, "R_xyz": R_xyz}

def reference(target, pred, latent, R_xyz):
    # L1 loss (mean reduction, matching torch.nn.L1Loss default)
    l1 = jnp.mean(jnp.abs(target - pred))
    # torch.sort(latent, descending=True) -> indices of top values
    sorted_indices = jnp.argsort(-latent)
    max_idx = sorted_indices[:N_MAX]
    # R_xyz[:, max_idx].T -> [N_max, 3]
    max_xyz = R_xyz[:, max_idx].T
    # torch.nn.functional.pdist(max_xyz, p=2): pairwise distances, i < j
    diff = max_xyz[:, None, :] - max_xyz[None, :, :]
    d2 = jnp.sum(diff * diff, axis=-1)
    iu, ju = jnp.triu_indices(N_MAX, k=1)
    dists = jnp.sqrt(d2[iu, ju])
    avg_dist = jnp.sum(dists)
    total_loss = l1 + avg_dist / N_MAX
    return total_loss

if __name__ == "__main__":
    import jax
    _d = setup_inputs()
    print(jax.jit(kernel)(*tuple(_d.values())))

</pallas_src>

<mosaic_0001>
#map = affine_map<(d0, d1) -> (0)>
#map1 = affine_map<(d0, d1) -> (0, 0)>
module attributes {stable_mosaic.version = 14 : i64} {
  func.func @_sc_topk_body(%arg0: i32, %arg1: i32, %arg2: memref<1000000xf32, #tpu.memory_space<hbm>>, %arg3: memref<32x2048xf32, #tpu.memory_space<hbm>>, %arg4: memref<32x2048xi32, #tpu.memory_space<hbm>>, %arg5: memref<31312xf32, #tpu.memory_space<vmem>>, %arg6: memref<2048xf32, #tpu.memory_space<vmem>>, %arg7: memref<2048xi32, #tpu.memory_space<vmem>>, %arg8: memref<512xf32, #tpu.memory_space<vmem>>, %arg9: memref<!tpu.dma_semaphore, #tpu.memory_space<semaphore_mem>>) attributes {dimension_semantics = [#tpu.dimension_semantics<core_parallel>, #tpu.dimension_semantics<subcore_parallel>], iteration_bounds = array<i64: 2, 16>, scalar_prefetch = 0 : i64, scratch_operands = 5 : i64, tpu.core_type = #tpu.core_type<sc_vector_subcore>, window_params = [{transform_indices = #map}, {transform_indices = #map1}, {transform_indices = #map1}]} {
    %mul3A = arith.constant 2 : i32
    %mul3A_0 = arith.muli %arg1, %mul3A : i32
    %add3A = arith.addi %mul3A_0, %arg0 : i32
    %mul3A_1 = arith.constant 31248 : i32
    %mul3A_2 = arith.muli %add3A, %mul3A_1 : i32
    %eq3A = arith.constant 31 : i32
    %eq3A_3 = arith.cmpi eq, %add3A, %eq3A : i32
    %dma_start3A = arith.constant 0 : i32
    %dma_start3A_4 = tpu.memref_slice %arg5[%dma_start3A] : memref<31312xf32, #tpu.memory_space<vmem>> -> memref<31248xf32, #tpu.memory_space<vmem>>
    %dma_start3A_5 = tpu.memref_slice %arg2[%mul3A_2] : memref<1000000xf32, #tpu.memory_space<hbm>> -> memref<31248xf32, #tpu.memory_space<hbm>>
    %dma_start3A_6 = arith.constant 0 : i32
    %dma_start3A_7 = tpu.memref_slice %arg5[%dma_start3A_6] : memref<31312xf32, #tpu.memory_space<vmem>> -> memref<31248xf32, #tpu.memory_space<vmem>>
    %dma_start3A_8 = tpu.memref_slice %arg2[%mul3A_2] : memref<1000000xf32, #tpu.memory_space<hbm>> -> memref<31248xf32, #tpu.memory_space<hbm>>
    tpu.enqueue_dma source(%dma_start3A_8 : memref<31248xf32, #tpu.memory_space<hbm>>) target(%dma_start3A_7 : memref<31248xf32, #tpu.memory_space<vmem>>) target_semaphore(%arg9 : memref<!tpu.dma_semaphore, #tpu.memory_space<semaphore_mem>>)
    %dma_wait3A = arith.constant 0 : i32
    %dma_wait3A_9 = tpu.memref_slice %arg5[%dma_wait3A] : memref<31312xf32, #tpu.memory_space<vmem>> -> memref<31248xf32, #tpu.memory_space<vmem>>
    %dma_wait3A_10 = tpu.memref_slice %arg2[%mul3A_2] : memref<1000000xf32, #tpu.memory_space<hbm>> -> memref<31248xf32, #tpu.memory_space<hbm>>
    %dma_wait3A_11 = arith.constant 0 : i32
    %dma_wait3A_12 = tpu.memref_slice %arg5[%dma_wait3A_11] : memref<31312xf32, #tpu.memory_space<vmem>> -> memref<31248xf32, #tpu.memory_space<vmem>>
    %dma_wait3A_13 = tpu.memref_slice %arg2[%mul3A_2] : memref<1000000xf32, #tpu.memory_space<hbm>> -> memref<31248xf32, #tpu.memory_space<hbm>>
    tpu.wait_dma2 semaphore(%arg9 : memref<!tpu.dma_semaphore, #tpu.memory_space<semaphore_mem>>) src(%dma_wait3A_13 : memref<31248xf32, #tpu.memory_space<hbm>>) dst(%dma_wait3A_12 : memref<31248xf32, #tpu.memory_space<vmem>>)
    %convert_element_type3A = arith.extui %eq3A_3 : i1 to i32
    %cond3A = arith.constant 0 : i32
    %cond3A_14 = arith.cmpi ne, %convert_element_type3A, %cond3A : i32
    scf.if %cond3A_14 {
      %dma_start3A_57 = arith.constant 31248 : i32
      %dma_start3A_58 = tpu.memref_slice %arg5[%dma_start3A_57] : memref<31312xf32, #tpu.memory_space<vmem>> -> memref<64xf32, #tpu.memory_space<vmem>>
      %dma_start3A_59 = arith.constant 999936 : i32
      %dma_start3A_60 = tpu.memref_slice %arg2[%dma_start3A_59] : memref<1000000xf32, #tpu.memory_space<hbm>> -> memref<64xf32, #tpu.memory_space<hbm>>
      %dma_start3A_61 = arith.constant 31248 : i32
      %dma_start3A_62 = tpu.memref_slice %arg5[%dma_start3A_61] : memref<31312xf32, #tpu.memory_space<vmem>> -> memref<64xf32, #tpu.memory_space<vmem>>
      %dma_start3A_63 = arith.constant 999936 : i32
      %dma_start3A_64 = tpu.memref_slice %arg2[%dma_start3A_63] : memref<1000000xf32, #tpu.memory_space<hbm>> -> memref<64xf32, #tpu.memory_space<hbm>>
      tpu.enqueue_dma source(%dma_start3A_64 : memref<64xf32, #tpu.memory_space<hbm>>) target(%dma_start3A_62 : memref<64xf32, #tpu.memory_space<vmem>>) target_semaphore(%arg9 : memref<!tpu.dma_semaphore, #tpu.memory_space<semaphore_mem>>)
      %dma_wait3A_65 = arith.constant 31248 : i32
      %dma_wait3A_66 = tpu.memref_slice %arg5[%dma_wait3A_65] : memref<31312xf32, #tpu.memory_space<vmem>> -> memref<64xf32, #tpu.memory_space<vmem>>
      %dma_wait3A_67 = arith.constant 999936 : i32
      %dma_wait3A_68 = tpu.memref_slice %arg2[%dma_wait3A_67] : memref<1000000xf32, #tpu.memory_space<hbm>> -> memref<64xf32, #tpu.memory_space<hbm>>
      %dma_wait3A_69 = arith.constant 31248 : i32
      %dma_wait3A_70 = tpu.memref_slice %arg5[%dma_wait3A_69] : memref<31312xf32, #tpu.memory_space<vmem>> -> memref<64xf32, #tpu.memory_space<vmem>>
      %dma_wait3A_71 = arith.constant 999936 : i32
      %dma_wait3A_72 = tpu.memref_slice %arg2[%dma_wait3A_71] : memref<1000000xf32, #tpu.memory_space<hbm>> -> memref<64xf32, #tpu.memory_space<hbm>>
      tpu.wait_dma2 semaphore(%arg9 : memref<!tpu.dma_semaphore, #tpu.memory_space<semaphore_mem>>) src(%dma_wait3A_72 : memref<64xf32, #tpu.memory_space<hbm>>) dst(%dma_wait3A_70 : memref<64xf32, #tpu.memory_space<vmem>>)
    } else {
    }
    %jit3A = arith.constant 32 : i32
    %jit3A_15 = arith.constant 31 : i32
    %select_n3A = arith.select %eq3A_3, %jit3A, %jit3A_15 : i32
    %broadcast_in_dim3A = arith.constant 0xFF800000 : f32
    %broadcast_in_dim3A_16 = vector.broadcast %broadcast_in_dim3A : f32 to vector<16xf32>
    %iota3A = tpu.iota {dimensions = array<i32: 0>} : vector<16xi32>
    %while3A = arith.constant 0 : i32
    %while3A_17 = arith.subi %select_n3A, %while3A : i32
    %while3A_18 = arith.addi %while3A, %while3A_17 : i32
    %while3A_19 = arith.constant 1 : i32
    %while3A_20 = arith.divsi %while3A_17, %while3A_19 : i32
    %while3A_21 = arith.muli %while3A_20, %while3A_19 : i32
    %while3A_22 = arith.addi %while3A, %while3A_21 : i32
    %while3A_23 = arith.constant 1 : i32
    %while3A_24 = scf.for %while3A_57 = %while3A to %while3A_22 step %while3A_23 iter_args(%while3A_58 = %broadcast_in_dim3A_16) -> (vector<16xf32>)  : i32 {
      %eq3A_59 = arith.constant 31 : i32
      %eq3A_60 = arith.cmpi eq, %while3A_57, %eq3A_59 : i32
      %jit3A_61 = arith.constant 4 : i32
      %jit3A_62 = arith.constant 63 : i32
      %select_n3A_63 = arith.select %eq3A_60, %jit3A_61, %jit3A_62 : i32
      %while3A_64 = arith.constant 0 : i32
      %while3A_65 = arith.subi %select_n3A_63, %while3A_64 : i32
      %while3A_66 = arith.addi %while3A_64, %while3A_65 : i32
      %while3A_67 = arith.constant 1 : i32
      %while3A_68 = arith.divsi %while3A_65, %while3A_67 : i32
      %while3A_69 = arith.muli %while3A_68, %while3A_67 : i32
      %while3A_70 = arith.addi %while3A_64, %while3A_69 : i32
      %while3A_71 = arith.constant 1 : i32
      %while3A_72 = scf.for %while3A_78 = %while3A_64 to %while3A_70 step %while3A_71 iter_args(%while3A_79 = %broadcast_in_dim3A_16) -> (vector<16xf32>)  : i32 {
        %mul3A_80 = arith.constant 63 : i32
        %mul3A_81 = arith.muli %while3A_57, %mul3A_80 : i32
        %add3A_82 = arith.addi %mul3A_81, %while3A_78 : i32
        %mul3A_83 = arith.constant 16 : i32
        %mul3A_84 = arith.muli %add3A_82, %mul3A_83 : i32
        %get3A = arith.index_cast %mul3A_84 : i32 to index
        %get3A_85 = tpu.vector_load %arg5[%get3A] {strides = array<i32>} : memref<31312xf32, #tpu.memory_space<vmem>>, vector<16xf32>,
        %max3A_86 = arith.maximumf %while3A_79, %get3A_85 : vector<16xf32>
        scf.yield %max3A_86 : vector<16xf32>
      }
      %while3A_73 = arith.constant 1 : i32
      %while3A_74 = scf.for %while3A_78 = %while3A_70 to %while3A_66 step %while3A_73 iter_args(%while3A_79 = %while3A_72) -> (vector<16xf32>)  : i32 {
        %mul3A_80 = arith.constant 63 : i32
        %mul3A_81 = arith.muli %while3A_57, %mul3A_80 : i32
        %add3A_82 = arith.addi %mul3A_81, %while3A_78 : i32
        %mul3A_83 = arith.constant 16 : i32
        %mul3A_84 = arith.muli %add3A_82, %mul3A_83 : i32
        %get3A = arith.index_cast %mul3A_84 : i32 to index
        %get3A_85 = tpu.vector_load %arg5[%get3A] {strides = array<i32>} : memref<31312xf32, #tpu.memory_space<vmem>>, vector<16xf32>,
        %max3A_86 = arith.maximumf %while3A_79, %get3A_85 : vector<16xf32>
        scf.yield %max3A_86 : vector<16xf32>
      }
      %mul3A_75 = arith.constant 16 : i32
      %mul3A_76 = arith.muli %while3A_57, %mul3A_75 : i32
      %swap3A = arith.index_cast %mul3A_76 : i32 to index
      %swap3A_77 = tpu.vector_load %arg8[%swap3A] {strides = array<i32>} : memref<512xf32, #tpu.memory_space<vmem>>, vector<16xf32>,
      tpu.vector_store %arg8[%swap3A], %while3A_74 {strides = array<i32>} : memref<512xf32, #tpu.memory_space<vmem>>, vector<16xf32>,
      %max3A = arith.maximumf %while3A_58, %while3A_74 : vector<16xf32>
      scf.yield %max3A : vector<16xf32>
    }
    %while3A_25 = arith.constant 1 : i32
    %while3A_26 = scf.for %while3A_57 = %while3A_22 to %while3A_18 step %while3A_25 iter_args(%while3A_58 = %while3A_24) -> (vector<16xf32>)  : i32 {
      %eq3A_59 = arith.constant 31 : i32
      %eq3A_60 = arith.cmpi eq, %while3A_57, %eq3A_59 : i32
      %jit3A_61 = arith.constant 4 : i32
      %jit3A_62 = arith.constant 63 : i32
      %select_n3A_63 = arith.select %eq3A_60, %jit3A_61, %jit3A_62 : i32
      %while3A_64 = arith.constant 0 : i32
      %while3A_65 = arith.subi %select_n3A_63, %while3A_64 : i32
      %while3A_66 = arith.addi %while3A_64, %while3A_65 : i32
      %while3A_67 = arith.constant 1 : i32
      %while3A_68 = arith.divsi %while3A_65, %while3A_67 : i32
      %while3A_69 = arith.muli %while3A_68, %while3A_67 : i32
      %while3A_70 = arith.addi %while3A_64, %while3A_69 : i32
      %while3A_71 = arith.constant 1 : i32
      %while3A_72 = scf.for %while3A_78 = %while3A_64 to %while3A_70 step %while3A_71 iter_args(%while3A_79 = %broadcast_in_dim3A_16) -> (vector<16xf32>)  : i32 {
        %mul3A_80 = arith.constant 63 : i32
        %mul3A_81 = arith.muli %while3A_57, %mul3A_80 : i32
        %add3A_82 = arith.addi %mul3A_81, %while3A_78 : i32
        %mul3A_83 = arith.constant 16 : i32
        %mul3A_84 = arith.muli %add3A_82, %mul3A_83 : i32
        %get3A = arith.index_cast %mul3A_84 : i32 to index
        %get3A_85 = tpu.vector_load %arg5[%get3A] {strides = array<i32>} : memref<31312xf32, #tpu.memory_space<vmem>>, vector<16xf32>,
        %max3A_86 = arith.maximumf %while3A_79, %get3A_85 : vector<16xf32>
        scf.yield %max3A_86 : vector<16xf32>
      }
      %while3A_73 = arith.constant 1 : i32
      %while3A_74 = scf.for %while3A_78 = %while3A_70 to %while3A_66 step %while3A_73 iter_args(%while3A_79 = %while3A_72) -> (vector<16xf32>)  : i32 {
        %mul3A_80 = arith.constant 63 : i32
        %mul3A_81 = arith.muli %while3A_57, %mul3A_80 : i32
        %add3A_82 = arith.addi %mul3A_81, %while3A_78 : i32
        %mul3A_83 = arith.constant 16 : i32
        %mul3A_84 = arith.muli %add3A_82, %mul3A_83 : i32
        %get3A = arith.index_cast %mul3A_84 : i32 to index
        %get3A_85 = tpu.vector_load %arg5[%get3A] {strides = array<i32>} : memref<31312xf32, #tpu.memory_space<vmem>>, vector<16xf32>,
        %max3A_86 = arith.maximumf %while3A_79, %get3A_85 : vector<16xf32>
        scf.yield %max3A_86 : vector<16xf32>
      }
      %mul3A_75 = arith.constant 16 : i32
      %mul3A_76 = arith.muli %while3A_57, %mul3A_75 : i32
      %swap3A = arith.index_cast %mul3A_76 : i32 to index
      %swap3A_77 = tpu.vector_load %arg8[%swap3A] {strides = array<i32>} : memref<512xf32, #tpu.memory_space<vmem>>, vector<16xf32>,
      tpu.vector_store %arg8[%swap3A], %while3A_74 {strides = array<i32>} : memref<512xf32, #tpu.memory_space<vmem>>, vector<16xf32>,
      %max3A = arith.maximumf %while3A_58, %while3A_74 : vector<16xf32>
      scf.yield %max3A : vector<16xf32>
    }
    %masked_sort3A = arith.constant dense<true> : vector<16xi1>
    %masked_sort3A_27, %masked_sort3A_28, %masked_sort3A_29 = tpu.sort %while3A_26, %while3A_26 masked %masked_sort3A : (vector<16xf32>, vector<16xf32>, vector<16xi1>) -> (vector<16xi1>, vector<16xf32>, vector<16xf32>)
    %eq3A_30 = arith.constant 4 : i32
    %eq3A_31 = vector.broadcast %eq3A_30 : i32 to vector<16xi32>
    %eq3A_32 = arith.cmpi eq, %iota3A, %eq3A_31 : vector<16xi32>
    %jit3A_33 = arith.constant 0xFF800000 : f32
    %broadcast_in_dim3A_34 = vector.broadcast %jit3A_33 : f32 to vector<16xf32>
    %select_n3A_35 = arith.select %eq3A_32, %masked_sort3A_28, %broadcast_in_dim3A_34 : vector<16xi1>, vector<16xf32>
    %reduce_max3A = arith.constant true
    %reduce_max3A_36 = vector.broadcast %reduce_max3A : i1 to vector<16xi1>
    %reduce_max3A_37 = tpu.scan <max>, %select_n3A_35 masked %reduce_max3A_36 : vector<16xf32>, vector<16xi1> -> vector<16xf32>
    %reduce_max3A_38 = vector.extract %reduce_max3A_37[15] : f32 from vector<16xf32>
    %scan3A = arith.constant 0 : i32
    %scan3A_39 = arith.constant 0 : i32
    %scan3A_40 = arith.constant 128 : i32
    %scan3A_41 = arith.addi %scan3A_39, %scan3A_40 : i32
    %scan3A_42 = arith.constant 1 : i32
    %scan3A_43 = scf.for %scan3A_57 = %scan3A_39 to %scan3A_41 step %scan3A_42 iter_args(%scan3A_58 = %scan3A) -> (i32)  : i32 {
      %mul3A_59 = arith.constant 16 : i32
      %mul3A_60 = arith.muli %scan3A_57, %mul3A_59 : i32
      %swap3A = arith.index_cast %mul3A_60 : i32 to index
      %swap3A_61 = tpu.vector_load %arg6[%swap3A] {strides = array<i32>} : memref<2048xf32, #tpu.memory_space<vmem>>, vector<16xf32>,
      tpu.vector_store %arg6[%swap3A], %broadcast_in_dim3A_16 {strides = array<i32>} : memref<2048xf32, #tpu.memory_space<vmem>>, vector<16xf32>,
      %scan3A_62 = arith.constant 0 : i32
      scf.yield %scan3A_62 : i32
    }
    %scan3A_44 = arith.constant 128 : i32
    %while3A_45 = arith.constant 0 : i32
    %while3A_46 = arith.constant 0 : i32
    %while3A_47 = arith.subi %select_n3A, %while3A_45 : i32
    %while3A_48 = arith.addi %while3A_45, %while3A_47 : i32
    %while3A_49 = arith.constant 1 : i32
    %while3A_50 = arith.divsi %while3A_47, %while3A_49 : i32
    %while3A_51 = arith.muli %while3A_50, %while3A_49 : i32
    %while3A_52 = arith.addi %while3A_45, %while3A_51 : i32
    %while3A_53 = arith.constant 1 : i32
    %while3A_54 = scf.for %while3A_57 = %while3A_45 to %while3A_52 step %while3A_53 iter_args(%while3A_58 = %while3A_46) -> (i32)  : i32 {
      %mul3A_59 = arith.constant 16 : i32
      %mul3A_60 = arith.muli %while3A_57, %mul3A_59 : i32
      %get3A = arith.index_cast %mul3A_60 : i32 to index
      %get3A_61 = tpu.vector_load %arg8[%get3A] {strides = array<i32>} : memref<512xf32, #tpu.memory_space<vmem>>, vector<16xf32>,
      %reduce_max3A_62 = arith.constant true
      %reduce_max3A_63 = vector.broadcast %reduce_max3A_62 : i1 to vector<16xi1>
      %reduce_max3A_64 = tpu.scan <max>, %get3A_61 masked %reduce_max3A_63 : vector<16xf32>, vector<16xi1> -> vector<16xf32>
      %reduce_max3A_65 = vector.extract %reduce_max3A_64[15] : f32 from vector<16xf32>
      %ge3A = arith.cmpf oge, %reduce_max3A_65, %reduce_max3A_38 : f32
      %convert_element_type3A_66 = arith.extui %ge3A : i1 to i32
      %cond3A_67 = arith.constant 0 : i32
      %cond3A_68 = arith.cmpi ne, %convert_element_type3A_66, %cond3A_67 : i32
      %cond3A_69 = scf.if %cond3A_68 -> (i32) {
        %eq3A_70 = arith.constant 31 : i32
        %eq3A_71 = arith.cmpi eq, %while3A_57, %eq3A_70 : i32
        %jit3A_72 = arith.constant 4 : i32
        %jit3A_73 = arith.constant 63 : i32
        %select_n3A_74 = arith.select %eq3A_71, %jit3A_72, %jit3A_73 : i32
        %while3A_75 = arith.constant 0 : i32
        %while3A_76 = arith.subi %select_n3A_74, %while3A_75 : i32
        %while3A_77 = arith.addi %while3A_75, %while3A_76 : i32
        %while3A_78 = arith.constant 1 : i32
        %while3A_79 = arith.divsi %while3A_76, %while3A_78 : i32
        %while3A_80 = arith.muli %while3A_79, %while3A_78 : i32
        %while3A_81 = arith.addi %while3A_75, %while3A_80 : i32
        %while3A_82 = arith.constant 1 : i32
        %while3A_83 = scf.for %while3A_86 = %while3A_75 to %while3A_81 step %while3A_82 iter_args(%while3A_87 = %while3A_58) -> (i32)  : i32 {
          %mul3A_88 = arith.constant 63 : i32
          %mul3A_89 = arith.muli %while3A_57, %mul3A_88 : i32
          %add3A_90 = arith.addi %mul3A_89, %while3A_86 : i32
          %mul3A_91 = arith.constant 16 : i32
          %mul3A_92 = arith.muli %add3A_90, %mul3A_91 : i32
          %get3A_93 = arith.index_cast %mul3A_92 : i32 to index
          %get3A_94 = tpu.vector_load %arg5[%get3A_93] {strides = array<i32>} : memref<31312xf32, #tpu.memory_space<vmem>>, vector<16xf32>,
          %reduce_max3A_95 = arith.constant true
          %reduce_max3A_96 = vector.broadcast %reduce_max3A_95 : i1 to vector<16xi1>
          %reduce_max3A_97 = tpu.scan <max>, %get3A_94 masked %reduce_max3A_96 : vector<16xf32>, vector<16xi1> -> vector<16xf32>
          %reduce_max3A_98 = vector.extract %reduce_max3A_97[15] : f32 from vector<16xf32>
          %ge3A_99 = arith.cmpf oge, %reduce_max3A_98, %reduce_max3A_38 : f32
          %convert_element_type3A_100 = arith.extui %ge3A_99 : i1 to i32
          %cond3A_101 = arith.constant 0 : i32
          %cond3A_102 = arith.cmpi ne, %convert_element_type3A_100, %cond3A_101 : i32
          scf.if %cond3A_102 {
            %mul3A_108 = arith.constant 16 : i32
            %mul3A_109 = arith.muli %while3A_87, %mul3A_108 : i32
            %swap3A = arith.index_cast %mul3A_109 : i32 to index
            %swap3A_110 = tpu.vector_load %arg6[%swap3A] {strides = array<i32>} : memref<2048xf32, #tpu.memory_space<vmem>>, vector<16xf32>,
            tpu.vector_store %arg6[%swap3A], %get3A_94 {strides = array<i32>} : memref<2048xf32, #tpu.memory_space<vmem>>, vector<16xf32>,
            %mul3A_111 = arith.constant 16 : i32
            %mul3A_112 = arith.muli %add3A_90, %mul3A_111 : i32
            %add3A_113 = arith.addi %mul3A_2, %mul3A_112 : i32
            %add3A_114 = vector.broadcast %add3A_113 : i32 to vector<16xi32>
            %add3A_115 = arith.addi %add3A_114, %iota3A : vector<16xi32>
            %mul3A_116 = arith.constant 16 : i32
            %mul3A_117 = arith.muli %while3A_87, %mul3A_116 : i32
            %swap3A_118 = arith.index_cast %mul3A_117 : i32 to index
            %swap3A_119 = tpu.vector_load %arg7[%swap3A_118] {strides = array<i32>} : memref<2048xi32, #tpu.memory_space<vmem>>, vector<16xi32>,
            tpu.vector_store %arg7[%swap3A_118], %add3A_115 {strides = array<i32>} : memref<2048xi32, #tpu.memory_space<vmem>>, vector<16xi32>,
          } else {
          }
          %ge3A_103 = arith.cmpf oge, %reduce_max3A_98, %reduce_max3A_38 : f32
          %add3A_104 = arith.constant 1 : i32
          %add3A_105 = arith.addi %while3A_87, %add3A_104 : i32
          %min3A = arith.constant 127 : i32
          %min3A_106 = arith.minsi %add3A_105, %min3A : i32
          %select_n3A_107 = arith.select %ge3A_103, %min3A_106, %while3A_87 : i32
          scf.yield %select_n3A_107 : i32
        }
        %while3A_84 = arith.constant 1 : i32
        %while3A_85 = scf.for %while3A_86 = %while3A_81 to %while3A_77 step %while3A_84 iter_args(%while3A_87 = %while3A_83) -> (i32)  : i32 {
          %mul3A_88 = arith.constant 63 : i32
          %mul3A_89 = arith.muli %while3A_57, %mul3A_88 : i32
          %add3A_90 = arith.addi %mul3A_89, %while3A_86 : i32
          %mul3A_91 = arith.constant 16 : i32
          %mul3A_92 = arith.muli %add3A_90, %mul3A_91 : i32
          %get3A_93 = arith.index_cast %mul3A_92 : i32 to index
          %get3A_94 = tpu.vector_load %arg5[%get3A_93] {strides = array<i32>} : memref<31312xf32, #tpu.memory_space<vmem>>, vector<16xf32>,
          %reduce_max3A_95 = arith.constant true
          %reduce_max3A_96 = vector.broadcast %reduce_max3A_95 : i1 to vector<16xi1>
          %reduce_max3A_97 = tpu.scan <max>, %get3A_94 masked %reduce_max3A_96 : vector<16xf32>, vector<16xi1> -> vector<16xf32>
          %reduce_max3A_98 = vector.extract %reduce_max3A_97[15] : f32 from vector<16xf32>
          %ge3A_99 = arith.cmpf oge, %reduce_max3A_98, %reduce_max3A_38 : f32
          %convert_element_type3A_100 = arith.extui %ge3A_99 : i1 to i32
          %cond3A_101 = arith.constant 0 : i32
          %cond3A_102 = arith.cmpi ne, %convert_element_type3A_100, %cond3A_101 : i32
          scf.if %cond3A_102 {
            %mul3A_108 = arith.constant 16 : i32
            %mul3A_109 = arith.muli %while3A_87, %mul3A_108 : i32
            %swap3A = arith.index_cast %mul3A_109 : i32 to index
            %swap3A_110 = tpu.vector_load %arg6[%swap3A] {strides = array<i32>} : memref<2048xf32, #tpu.memory_space<vmem>>, vector<16xf32>,
            tpu.vector_store %arg6[%swap3A], %get3A_94 {strides = array<i32>} : memref<2048xf32, #tpu.memory_space<vmem>>, vector<16xf32>,
            %mul3A_111 = arith.constant 16 : i32
            %mul3A_112 = arith.muli %add3A_90, %mul3A_111 : i32
            %add3A_113 = arith.addi %mul3A_2, %mul3A_112 : i32
            %add3A_114 = vector.broadcast %add3A_113 : i32 to vector<16xi32>
            %add3A_115 = arith.addi %add3A_114, %iota3A : vector<16xi32>
            %mul3A_116 = arith.constant 16 : i32
            %mul3A_117 = arith.muli %while3A_87, %mul3A_116 : i32
            %swap3A_118 = arith.index_cast %mul3A_117 : i32 to index
            %swap3A_119 = tpu.vector_load %arg7[%swap3A_118] {strides = array<i32>} : memref<2048xi32, #tpu.memory_space<vmem>>, vector<16xi32>,
            tpu.vector_store %arg7[%swap3A_118], %add3A_115 {strides = array<i32>} : memref<2048xi32, #tpu.memory_space<vmem>>, vector<16xi32>,
          } else {
          }
          %ge3A_103 = arith.cmpf oge, %reduce_max3A_98, %reduce_max3A_38 : f32
          %add3A_104 = arith.constant 1 : i32
          %add3A_105 = arith.addi %while3A_87, %add3A_104 : i32
          %min3A = arith.constant 127 : i32
          %min3A_106 = arith.minsi %add3A_105, %min3A : i32
          %select_n3A_107 = arith.select %ge3A_103, %min3A_106, %while3A_87 : i32
          scf.yield %select_n3A_107 : i32
        }
        scf.yield %while3A_85 : i32
      } else {
        scf.yield %while3A_58 : i32
      }
      scf.yield %cond3A_69 : i32
    }
    %while3A_55 = arith.constant 1 : i32
    %while3A_56 = scf.for %while3A_57 = %while3A_52 to %while3A_48 step %while3A_55 iter_args(%while3A_58 = %while3A_54) -> (i32)  : i32 {
      %mul3A_59 = arith.constant 16 : i32
      %mul3A_60 = arith.muli %while3A_57, %mul3A_59 : i32
      %get3A = arith.index_cast %mul3A_60 : i32 to index
      %get3A_61 = tpu.vector_load %arg8[%get3A] {strides = array<i32>} : memref<512xf32, #tpu.memory_space<vmem>>, vector<16xf32>,
      %reduce_max3A_62 = arith.constant true
      %reduce_max3A_63 = vector.broadcast %reduce_max3A_62 : i1 to vector<16xi1>
      %reduce_max3A_64 = tpu.scan <max>, %get3A_61 masked %reduce_max3A_63 : vector<16xf32>, vector<16xi1> -> vector<16xf32>
      %reduce_max3A_65 = vector.extract %reduce_max3A_64[15] : f32 from vector<16xf32>
      %ge3A = arith.cmpf oge, %reduce_max3A_65, %reduce_max3A_38 : f32
      %convert_element_type3A_66 = arith.extui %ge3A : i1 to i32
      %cond3A_67 = arith.constant 0 : i32
      %cond3A_68 = arith.cmpi ne, %convert_element_type3A_66, %cond3A_67 : i32
      %cond3A_69 = scf.if %cond3A_68 -> (i32) {
        %eq3A_70 = arith.constant 31 : i32
        %eq3A_71 = arith.cmpi eq, %while3A_57, %eq3A_70 : i32
        %jit3A_72 = arith.constant 4 : i32
        %jit3A_73 = arith.constant 63 : i32
        %select_n3A_74 = arith.select %eq3A_71, %jit3A_72, %jit3A_73 : i32
        %while3A_75 = arith.constant 0 : i32
        %while3A_76 = arith.subi %select_n3A_74, %while3A_75 : i32
        %while3A_77 = arith.addi %while3A_75, %while3A_76 : i32
        %while3A_78 = arith.constant 1 : i32
        %while3A_79 = arith.divsi %while3A_76, %while3A_78 : i32
        %while3A_80 = arith.muli %while3A_79, %while3A_78 : i32
        %while3A_81 = arith.addi %while3A_75, %while3A_80 : i32
        %while3A_82 = arith.constant 1 : i32
        %while3A_83 = scf.for %while3A_86 = %while3A_75 to %while3A_81 step %while3A_82 iter_args(%while3A_87 = %while3A_58) -> (i32)  : i32 {
          %mul3A_88 = arith.constant 63 : i32
          %mul3A_89 = arith.muli %while3A_57, %mul3A_88 : i32
          %add3A_90 = arith.addi %mul3A_89, %while3A_86 : i32
          %mul3A_91 = arith.constant 16 : i32
          %mul3A_92 = arith.muli %add3A_90, %mul3A_91 : i32
          %get3A_93 = arith.index_cast %mul3A_92 : i32 to index
          %get3A_94 = tpu.vector_load %arg5[%get3A_93] {strides = array<i32>} : memref<31312xf32, #tpu.memory_space<vmem>>, vector<16xf32>,
          %reduce_max3A_95 = arith.constant true
          %reduce_max3A_96 = vector.broadcast %reduce_max3A_95 : i1 to vector<16xi1>
          %reduce_max3A_97 = tpu.scan <max>, %get3A_94 masked %reduce_max3A_96 : vector<16xf32>, vector<16xi1> -> vector<16xf32>
          %reduce_max3A_98 = vector.extract %reduce_max3A_97[15] : f32 from vector<16xf32>
          %ge3A_99 = arith.cmpf oge, %reduce_max3A_98, %reduce_max3A_38 : f32
          %convert_element_type3A_100 = arith.extui %ge3A_99 : i1 to i32
          %cond3A_101 = arith.constant 0 : i32
          %cond3A_102 = arith.cmpi ne, %convert_element_type3A_100, %cond3A_101 : i32
          scf.if %cond3A_102 {
            %mul3A_108 = arith.constant 16 : i32
            %mul3A_109 = arith.muli %while3A_87, %mul3A_108 : i32
            %swap3A = arith.index_cast %mul3A_109 : i32 to index
            %swap3A_110 = tpu.vector_load %arg6[%swap3A] {strides = array<i32>} : memref<2048xf32, #tpu.memory_space<vmem>>, vector<16xf32>,
            tpu.vector_store %arg6[%swap3A], %get3A_94 {strides = array<i32>} : memref<2048xf32, #tpu.memory_space<vmem>>, vector<16xf32>,
            %mul3A_111 = arith.constant 16 : i32
            %mul3A_112 = arith.muli %add3A_90, %mul3A_111 : i32
            %add3A_113 = arith.addi %mul3A_2, %mul3A_112 : i32
            %add3A_114 = vector.broadcast %add3A_113 : i32 to vector<16xi32>
            %add3A_115 = arith.addi %add3A_114, %iota3A : vector<16xi32>
            %mul3A_116 = arith.constant 16 : i32
            %mul3A_117 = arith.muli %while3A_87, %mul3A_116 : i32
            %swap3A_118 = arith.index_cast %mul3A_117 : i32 to index
            %swap3A_119 = tpu.vector_load %arg7[%swap3A_118] {strides = array<i32>} : memref<2048xi32, #tpu.memory_space<vmem>>, vector<16xi32>,
            tpu.vector_store %arg7[%swap3A_118], %add3A_115 {strides = array<i32>} : memref<2048xi32, #tpu.memory_space<vmem>>, vector<16xi32>,
          } else {
          }
          %ge3A_103 = arith.cmpf oge, %reduce_max3A_98, %reduce_max3A_38 : f32
          %add3A_104 = arith.constant 1 : i32
          %add3A_105 = arith.addi %while3A_87, %add3A_104 : i32
          %min3A = arith.constant 127 : i32
          %min3A_106 = arith.minsi %add3A_105, %min3A : i32
          %select_n3A_107 = arith.select %ge3A_103, %min3A_106, %while3A_87 : i32
          scf.yield %select_n3A_107 : i32
        }
        %while3A_84 = arith.constant 1 : i32
        %while3A_85 = scf.for %while3A_86 = %while3A_81 to %while3A_77 step %while3A_84 iter_args(%while3A_87 = %while3A_83) -> (i32)  : i32 {
          %mul3A_88 = arith.constant 63 : i32
          %mul3A_89 = arith.muli %while3A_57, %mul3A_88 : i32
          %add3A_90 = arith.addi %mul3A_89, %while3A_86 : i32
          %mul3A_91 = arith.constant 16 : i32
          %mul3A_92 = arith.muli %add3A_90, %mul3A_91 : i32
          %get3A_93 = arith.index_cast %mul3A_92 : i32 to index
          %get3A_94 = tpu.vector_load %arg5[%get3A_93] {strides = array<i32>} : memref<31312xf32, #tpu.memory_space<vmem>>, vector<16xf32>,
          %reduce_max3A_95 = arith.constant true
          %reduce_max3A_96 = vector.broadcast %reduce_max3A_95 : i1 to vector<16xi1>
          %reduce_max3A_97 = tpu.scan <max>, %get3A_94 masked %reduce_max3A_96 : vector<16xf32>, vector<16xi1> -> vector<16xf32>
          %reduce_max3A_98 = vector.extract %reduce_max3A_97[15] : f32 from vector<16xf32>
          %ge3A_99 = arith.cmpf oge, %reduce_max3A_98, %reduce_max3A_38 : f32
          %convert_element_type3A_100 = arith.extui %ge3A_99 : i1 to i32
          %cond3A_101 = arith.constant 0 : i32
          %cond3A_102 = arith.cmpi ne, %convert_element_type3A_100, %cond3A_101 : i32
          scf.if %cond3A_102 {
            %mul3A_108 = arith.constant 16 : i32
            %mul3A_109 = arith.muli %while3A_87, %mul3A_108 : i32
            %swap3A = arith.index_cast %mul3A_109 : i32 to index
            %swap3A_110 = tpu.vector_load %arg6[%swap3A] {strides = array<i32>} : memref<2048xf32, #tpu.memory_space<vmem>>, vector<16xf32>,
            tpu.vector_store %arg6[%swap3A], %get3A_94 {strides = array<i32>} : memref<2048xf32, #tpu.memory_space<vmem>>, vector<16xf32>,
            %mul3A_111 = arith.constant 16 : i32
            %mul3A_112 = arith.muli %add3A_90, %mul3A_111 : i32
            %add3A_113 = arith.addi %mul3A_2, %mul3A_112 : i32
            %add3A_114 = vector.broadcast %add3A_113 : i32 to vector<16xi32>
            %add3A_115 = arith.addi %add3A_114, %iota3A : vector<16xi32>
            %mul3A_116 = arith.constant 16 : i32
            %mul3A_117 = arith.muli %while3A_87, %mul3A_116 : i32
            %swap3A_118 = arith.index_cast %mul3A_117 : i32 to index
            %swap3A_119 = tpu.vector_load %arg7[%swap3A_118] {strides = array<i32>} : memref<2048xi32, #tpu.memory_space<vmem>>, vector<16xi32>,
            tpu.vector_store %arg7[%swap3A_118], %add3A_115 {strides = array<i32>} : memref<2048xi32, #tpu.memory_space<vmem>>, vector<16xi32>,
          } else {
          }
          %ge3A_103 = arith.cmpf oge, %reduce_max3A_98, %reduce_max3A_38 : f32
          %add3A_104 = arith.constant 1 : i32
          %add3A_105 = arith.addi %while3A_87, %add3A_104 : i32
          %min3A = arith.constant 127 : i32
          %min3A_106 = arith.minsi %add3A_105, %min3A : i32
          %select_n3A_107 = arith.select %ge3A_103, %min3A_106, %while3A_87 : i32
          scf.yield %select_n3A_107 : i32
        }
        scf.yield %while3A_85 : i32
      } else {
        scf.yield %while3A_58 : i32
      }
      scf.yield %cond3A_69 : i32
    }
    "tpu.region"() ({
      %run_scoped3A = tpu.sem_alloc : memref<!tpu.dma_semaphore, #tpu.memory_space<semaphore_mem>>
      %dma_start3A_57 = arith.constant 0 : i32
      %dma_start3A_58 = tpu.memref_slice %arg3[%add3A, %dma_start3A_57] : memref<32x2048xf32, #tpu.memory_space<hbm>> -> memref<1x2048xf32, #tpu.memory_space<hbm>>
      %dma_start3A_59 = tpu.memref_squeeze %dma_start3A_58 : memref<1x2048xf32, #tpu.memory_space<hbm>> -> memref<2048xf32, #tpu.memory_space<hbm>>
      %dma_start3A_60 = arith.constant 0 : i32
      %dma_start3A_61 = tpu.memref_slice %arg3[%add3A, %dma_start3A_60] : memref<32x2048xf32, #tpu.memory_space<hbm>> -> memref<1x2048xf32, #tpu.memory_space<hbm>>
      %dma_start3A_62 = tpu.memref_squeeze %dma_start3A_61 : memref<1x2048xf32, #tpu.memory_space<hbm>> -> memref<2048xf32, #tpu.memory_space<hbm>>
      tpu.enqueue_dma source(%arg6 : memref<2048xf32, #tpu.memory_space<vmem>>) target(%dma_start3A_62 : memref<2048xf32, #tpu.memory_space<hbm>>) target_semaphore(%run_scoped3A : memref<!tpu.dma_semaphore, #tpu.memory_space<semaphore_mem>>)
      %dma_wait3A_63 = arith.constant 0 : i32
      %dma_wait3A_64 = tpu.memref_slice %arg3[%add3A, %dma_wait3A_63] : memref<32x2048xf32, #tpu.memory_space<hbm>> -> memref<1x2048xf32, #tpu.memory_space<hbm>>
      %dma_wait3A_65 = tpu.memref_squeeze %dma_wait3A_64 : memref<1x2048xf32, #tpu.memory_space<hbm>> -> memref<2048xf32, #tpu.memory_space<hbm>>
      %dma_wait3A_66 = arith.constant 0 : i32
      %dma_wait3A_67 = tpu.memref_slice %arg3[%add3A, %dma_wait3A_66] : memref<32x2048xf32, #tpu.memory_space<hbm>> -> memref<1x2048xf32, #tpu.memory_space<hbm>>
      %dma_wait3A_68 = tpu.memref_squeeze %dma_wait3A_67 : memref<1x2048xf32, #tpu.memory_space<hbm>> -> memref<2048xf32, #tpu.memory_space<hbm>>
      tpu.wait_dma2 semaphore(%run_scoped3A : memref<!tpu.dma_semaphore, #tpu.memory_space<semaphore_mem>>) src(%arg6 : memref<2048xf32, #tpu.memory_space<vmem>>) dst(%dma_wait3A_68 : memref<2048xf32, #tpu.memory_space<hbm>>)
      tpu.yield
    }) : () -> ()
    "tpu.region"() ({
      %run_scoped3A = tpu.sem_alloc : memref<!tpu.dma_semaphore, #tpu.memory_space<semaphore_mem>>
      %dma_start3A_57 = arith.constant 0 : i32
      %dma_start3A_58 = tpu.memref_slice %arg4[%add3A, %dma_start3A_57] : memref<32x2048xi32, #tpu.memory_space<hbm>> -> memref<1x2048xi32, #tpu.memory_space<hbm>>
      %dma_start3A_59 = tpu.memref_squeeze %dma_start3A_58 : memref<1x2048xi32, #tpu.memory_space<hbm>> -> memref<2048xi32, #tpu.memory_space<hbm>>
      %dma_start3A_60 = arith.constant 0 : i32
      %dma_start3A_61 = tpu.memref_slice %arg4[%add3A, %dma_start3A_60] : memref<32x2048xi32, #tpu.memory_space<hbm>> -> memref<1x2048xi32, #tpu.memory_space<hbm>>
      %dma_start3A_62 = tpu.memref_squeeze %dma_start3A_61 : memref<1x2048xi32, #tpu.memory_space<hbm>> -> memref<2048xi32, #tpu.memory_space<hbm>>
      tpu.enqueue_dma source(%arg7 : memref<2048xi32, #tpu.memory_space<vmem>>) target(%dma_start3A_62 : memref<2048xi32, #tpu.memory_space<hbm>>) target_semaphore(%run_scoped3A : memref<!tpu.dma_semaphore, #tpu.memory_space<semaphore_mem>>)
      %dma_wait3A_63 = arith.constant 0 : i32
      %dma_wait3A_64 = tpu.memref_slice %arg4[%add3A, %dma_wait3A_63] : memref<32x2048xi32, #tpu.memory_space<hbm>> -> memref<1x2048xi32, #tpu.memory_space<hbm>>
      %dma_wait3A_65 = tpu.memref_squeeze %dma_wait3A_64 : memref<1x2048xi32, #tpu.memory_space<hbm>> -> memref<2048xi32, #tpu.memory_space<hbm>>
      %dma_wait3A_66 = arith.constant 0 : i32
      %dma_wait3A_67 = tpu.memref_slice %arg4[%add3A, %dma_wait3A_66] : memref<32x2048xi32, #tpu.memory_space<hbm>> -> memref<1x2048xi32, #tpu.memory_space<hbm>>
      %dma_wait3A_68 = tpu.memref_squeeze %dma_wait3A_67 : memref<1x2048xi32, #tpu.memory_space<hbm>> -> memref<2048xi32, #tpu.memory_space<hbm>>
      tpu.wait_dma2 semaphore(%run_scoped3A : memref<!tpu.dma_semaphore, #tpu.memory_space<semaphore_mem>>) src(%arg7 : memref<2048xi32, #tpu.memory_space<vmem>>) dst(%dma_wait3A_68 : memref<2048xi32, #tpu.memory_space<hbm>>)
      tpu.yield
    }) : () -> ()
    return
  }
}

module attributes {stable_mosaic.version = 14 : i64} {
  func.func @_l1_body(%arg0: i32, %arg1: memref<256x8192xf32, #tpu.memory_space<vmem>>, %arg2: memref<256x8192xf32, #tpu.memory_space<vmem>>, %arg3: memref<1x1x128xf32, #tpu.memory_space<vmem>>) attributes {dimension_semantics = [#tpu.dimension_semantics<parallel>], iteration_bounds = array<i64: 16>, scalar_prefetch = 0 : i64, scratch_operands = 0 : i64, tpu.core_type = #tpu.core_type<tc>, window_params = [{transform_indices = @transform_0, window_bounds = array<i64: 256, 8192>}, {transform_indices = @transform_1, window_bounds = array<i64: 256, 8192>}, {transform_indices = @transform_2, window_bounds = array<i64: 1, 1, 128>}]} {
    %get3A = arith.constant 0 : index
    %get3A_0 = arith.constant 0 : index
    %get3A_1 = vector.load %arg1[%get3A, %get3A_0] : memref<256x8192xf32, #tpu.memory_space<vmem>>, vector<256x8192xf32>
    %get3A_2 = arith.constant 0 : index
    %get3A_3 = arith.constant 0 : index
    %get3A_4 = vector.load %arg2[%get3A_2, %get3A_3] : memref<256x8192xf32, #tpu.memory_space<vmem>>, vector<256x8192xf32>
    %sub3A = arith.subf %get3A_1, %get3A_4 : vector<256x8192xf32>
    %abs3A = math.absf %sub3A : vector<256x8192xf32>
    %reduce_sum3A = vector.shape_cast %abs3A : vector<256x8192xf32> to vector<1x256x8192xf32>
    %reduce_sum3A_5 = arith.constant dense<0.000000e+00> : vector<1xf32>
    %reduce_sum3A_6 = vector.multi_reduction <add>, %reduce_sum3A, %reduce_sum3A_5 [1, 2] : vector<1x256x8192xf32> to vector<1xf32>
    %reduce_sum3A_7 = vector.shape_cast %reduce_sum3A_6 : vector<1xf32> to vector<1x1x1xf32>
    %reduce_sum3A_8 = vector.extract %reduce_sum3A_7[0, 0, 0] : f32 from vector<1x1x1xf32>
    %iota3A = tpu.iota {dimensions = array<i32: 2>} : vector<1x1x128xi32>
    %eq3A = arith.constant 0 : i32
    %eq3A_9 = vector.broadcast %eq3A : i32 to vector<1x1x128xi32>
    %eq3A_10 = arith.cmpi eq, %iota3A, %eq3A_9 : vector<1x1x128xi32>
    %jit3A = arith.constant 0.000000e+00 : f32
    %broadcast_in_dim3A = vector.broadcast %reduce_sum3A_8 : f32 to vector<1x1x128xf32>
    %broadcast_in_dim3A_11 = vector.broadcast %jit3A : f32 to vector<1x1x128xf32>
    %select_n3A = arith.select %eq3A_10, %broadcast_in_dim3A, %broadcast_in_dim3A_11 : vector<1x1x128xi1>, vector<1x1x128xf32>
    %swap3A = arith.constant 0 : index
    %swap3A_12 = arith.constant 0 : index
    %swap3A_13 = arith.constant 0 : index
    %swap3A_14 = vector.load %arg3[%swap3A, %swap3A_12, %swap3A_13] : memref<1x1x128xf32, #tpu.memory_space<vmem>>, vector<1x1x128xf32>
    tpu.vector_store %arg3[%swap3A, %swap3A_12, %swap3A_13], %select_n3A {strides = array<i32>} : memref<1x1x128xf32, #tpu.memory_space<vmem>>, vector<1x1x128xf32>,
    return
  }
  func.func @transform_0(%arg0: i32) -> (i32, i32) {
    %c0_i32 = arith.constant 0 : i32
    %c0_i32_0 = arith.constant 0 : i32
    return %arg0, %c0_i32 : i32, i32
  }
  func.func @transform_1(%arg0: i32) -> (i32, i32) {
    %c0_i32 = arith.constant 0 : i32
    %c0_i32_0 = arith.constant 0 : i32
    return %arg0, %c0_i32 : i32, i32
  }
  func.func @transform_2(%arg0: i32) -> (i32, i32, i32) {
    %c0_i32 = arith.constant 0 : i32
    %c0_i32_0 = arith.constant 0 : i32
    %c0_i32_1 = arith.constant 0 : i32
    return %arg0, %c0_i32, %c0_i32_0 : i32, i32, i32
  }
}

module attributes {stable_mosaic.version = 14 : i64} {
  func.func @_refine_body(%arg0: memref<32x2048xf32, #tpu.memory_space<vmem>>, %arg1: memref<32x2048xi32, #tpu.memory_space<vmem>>, %arg2: memref<3x1000000xf32, #tpu.memory_space<any>>, %arg3: memref<16x1x128xf32, #tpu.memory_space<smem>>, %arg4: memref<1x1xf32, #tpu.memory_space<smem>>, %arg5: memref<!tpu.dma_semaphore, #tpu.memory_space<semaphore_mem>>, %arg6: memref<12x3x128xf32, #tpu.memory_space<smem>>) attributes {dimension_semantics = [], scalar_prefetch = 0 : i64, scratch_operands = 2 : i64, tpu.core_type = #tpu.core_type<tc>} {
    %get3A = arith.constant 0 : index
    %get3A_0 = arith.constant 0 : index
    %get3A_1 = vector.load %arg0[%get3A, %get3A_0] : memref<32x2048xf32, #tpu.memory_space<vmem>>, vector<32x2048xf32>
    %get3A_2 = arith.constant 0 : index
    %get3A_3 = arith.constant 0 : index
    %get3A_4 = vector.load %arg1[%get3A_2, %get3A_3] : memref<32x2048xi32, #tpu.memory_space<vmem>>, vector<32x2048xi32>
    %reduce_max3A = vector.shape_cast %get3A_1 : vector<32x2048xf32> to vector<1x32x2048xf32>
    %reduce_max3A_5 = arith.constant dense<0xFF800000> : vector<1xf32>
    %reduce_max3A_6 = vector.multi_reduction <maximumf>, %reduce_max3A, %reduce_max3A_5 [1, 2] : vector<1x32x2048xf32> to vector<1xf32>
    %reduce_max3A_7 = vector.shape_cast %reduce_max3A_6 : vector<1xf32> to vector<1x1x1xf32>
    %reduce_max3A_8 = vector.extract %reduce_max3A_7[0, 0, 0] : f32 from vector<1x1x1xf32>
    %eq3A = vector.broadcast %reduce_max3A_8 : f32 to vector<32x2048xf32>
    %eq3A_9 = arith.cmpf oeq, %get3A_1, %eq3A : vector<32x2048xf32>
    %jit3A = arith.constant 2147483647 : i32
    %broadcast_in_dim3A = vector.broadcast %jit3A : i32 to vector<32x2048xi32>
    %select_n3A = arith.select %eq3A_9, %get3A_4, %broadcast_in_dim3A : vector<32x2048xi1>, vector<32x2048xi32>
    %reduce_min3A = vector.shape_cast %select_n3A : vector<32x2048xi32> to vector<1x32x2048xi32>
    %reduce_min3A_10 = arith.constant dense<2147483647> : vector<1xi32>
    %reduce_min3A_11 = vector.multi_reduction <minsi>, %reduce_min3A, %reduce_min3A_10 [1, 2] : vector<1x32x2048xi32> to vector<1xi32>
    %reduce_min3A_12 = vector.shape_cast %reduce_min3A_11 : vector<1xi32> to vector<1x1x1xi32>
    %reduce_min3A_13 = vector.extract %reduce_min3A_12[0, 0, 0] : i32 from vector<1x1x1xi32>
    %eq3A_14 = vector.broadcast %reduce_min3A_13 : i32 to vector<32x2048xi32>
    %eq3A_15 = arith.cmpi eq, %get3A_4, %eq3A_14 : vector<32x2048xi32>
    %and3A = arith.andi %eq3A_9, %eq3A_15 : vector<32x2048xi1>
    %jit3A_16 = arith.constant 0xFF800000 : f32
    %broadcast_in_dim3A_17 = vector.broadcast %jit3A_16 : f32 to vector<32x2048xf32>
    %select_n3A_18 = arith.select %and3A, %broadcast_in_dim3A_17, %get3A_1 : vector<32x2048xi1>, vector<32x2048xf32>
    %min3A = arith.constant 999999 : i32
    %min3A_19 = arith.minsi %reduce_min3A_13, %min3A : i32
    %reduce_max3A_20 = vector.shape_cast %select_n3A_18 : vector<32x2048xf32> to vector<1x32x2048xf32>
    %reduce_max3A_21 = arith.constant dense<0xFF800000> : vector<1xf32>
    %reduce_max3A_22 = vector.multi_reduction <maximumf>, %reduce_max3A_20, %reduce_max3A_21 [1, 2] : vector<1x32x2048xf32> to vector<1xf32>
    %reduce_max3A_23 = vector.shape_cast %reduce_max3A_22 : vector<1xf32> to vector<1x1x1xf32>
    %reduce_max3A_24 = vector.extract %reduce_max3A_23[0, 0, 0] : f32 from vector<1x1x1xf32>
    %eq3A_25 = vector.broadcast %reduce_max3A_24 : f32 to vector<32x2048xf32>
    %eq3A_26 = arith.cmpf oeq, %select_n3A_18, %eq3A_25 : vector<32x2048xf32>
    %jit3A_27 = arith.constant 2147483647 : i32
    %broadcast_in_dim3A_28 = vector.broadcast %jit3A_27 : i32 to vector<32x2048xi32>
    %select_n3A_29 = arith.select %eq3A_26, %get3A_4, %broadcast_in_dim3A_28 : vector<32x2048xi1>, vector<32x2048xi32>
    %reduce_min3A_30 = vector.shape_cast %select_n3A_29 : vector<32x2048xi32> to vector<1x32x2048xi32>
    %reduce_min3A_31 = arith.constant dense<2147483647> : vector<1xi32>
    %reduce_min3A_32 = vector.multi_reduction <minsi>, %reduce_min3A_30, %reduce_min3A_31 [1, 2] : vector<1x32x2048xi32> to vector<1xi32>
    %reduce_min3A_33 = vector.shape_cast %reduce_min3A_32 : vector<1xi32> to vector<1x1x1xi32>
    %reduce_min3A_34 = vector.extract %reduce_min3A_33[0, 0, 0] : i32 from vector<1x1x1xi32>
    %eq3A_35 = vector.broadcast %reduce_min3A_34 : i32 to vector<32x2048xi32>
    %eq3A_36 = arith.cmpi eq, %get3A_4, %eq3A_35 : vector<32x2048xi32>
    %and3A_37 = arith.andi %eq3A_26, %eq3A_36 : vector<32x2048xi1>
    %jit3A_38 = arith.constant 0xFF800000 : f32
    %broadcast_in_dim3A_39 = vector.broadcast %jit3A_38 : f32 to vector<32x2048xf32>
    %select_n3A_40 = arith.select %and3A_37, %broadcast_in_dim3A_39, %select_n3A_18 : vector<32x2048xi1>, vector<32x2048xf32>
    %min3A_41 = arith.constant 999999 : i32
    %min3A_42 = arith.minsi %reduce_min3A_34, %min3A_41 : i32
    %reduce_max3A_43 = vector.shape_cast %select_n3A_40 : vector<32x2048xf32> to vector<1x32x2048xf32>
    %reduce_max3A_44 = arith.constant dense<0xFF800000> : vector<1xf32>
    %reduce_max3A_45 = vector.multi_reduction <maximumf>, %reduce_max3A_43, %reduce_max3A_44 [1, 2] : vector<1x32x2048xf32> to vector<1xf32>
    %reduce_max3A_46 = vector.shape_cast %reduce_max3A_45 : vector<1xf32> to vector<1x1x1xf32>
    %reduce_max3A_47 = vector.extract %reduce_max3A_46[0, 0, 0] : f32 from vector<1x1x1xf32>
    %eq3A_48 = vector.broadcast %reduce_max3A_47 : f32 to vector<32x2048xf32>
    %eq3A_49 = arith.cmpf oeq, %select_n3A_40, %eq3A_48 : vector<32x2048xf32>
    %jit3A_50 = arith.constant 2147483647 : i32
    %broadcast_in_dim3A_51 = vector.broadcast %jit3A_50 : i32 to vector<32x2048xi32>
    %select_n3A_52 = arith.select %eq3A_49, %get3A_4, %broadcast_in_dim3A_51 : vector<32x2048xi1>, vector<32x2048xi32>
    %reduce_min3A_53 = vector.shape_cast %select_n3A_52 : vector<32x2048xi32> to vector<1x32x2048xi32>
    %reduce_min3A_54 = arith.constant dense<2147483647> : vector<1xi32>
    %reduce_min3A_55 = vector.multi_reduction <minsi>, %reduce_min3A_53, %reduce_min3A_54 [1, 2] : vector<1x32x2048xi32> to vector<1xi32>
    %reduce_min3A_56 = vector.shape_cast %reduce_min3A_55 : vector<1xi32> to vector<1x1x1xi32>
    %reduce_min3A_57 = vector.extract %reduce_min3A_56[0, 0, 0] : i32 from vector<1x1x1xi32>
    %eq3A_58 = vector.broadcast %reduce_min3A_57 : i32 to vector<32x2048xi32>
    %eq3A_59 = arith.cmpi eq, %get3A_4, %eq3A_58 : vector<32x2048xi32>
    %and3A_60 = arith.andi %eq3A_49, %eq3A_59 : vector<32x2048xi1>
    %jit3A_61 = arith.constant 0xFF800000 : f32
    %broadcast_in_dim3A_62 = vector.broadcast %jit3A_61 : f32 to vector<32x2048xf32>
    %select_n3A_63 = arith.select %and3A_60, %broadcast_in_dim3A_62, %select_n3A_40 : vector<32x2048xi1>, vector<32x2048xf32>
    %min3A_64 = arith.constant 999999 : i32
    %min3A_65 = arith.minsi %reduce_min3A_57, %min3A_64 : i32
    %reduce_max3A_66 = vector.shape_cast %select_n3A_63 : vector<32x2048xf32> to vector<1x32x2048xf32>
    %reduce_max3A_67 = arith.constant dense<0xFF800000> : vector<1xf32>
    %reduce_max3A_68 = vector.multi_reduction <maximumf>, %reduce_max3A_66, %reduce_max3A_67 [1, 2] : vector<1x32x2048xf32> to vector<1xf32>
    %reduce_max3A_69 = vector.shape_cast %reduce_max3A_68 : vector<1xf32> to vector<1x1x1xf32>
    %reduce_max3A_70 = vector.extract %reduce_max3A_69[0, 0, 0] : f32 from vector<1x1x1xf32>
    %eq3A_71 = vector.broadcast %reduce_max3A_70 : f32 to vector<32x2048xf32>
    %eq3A_72 = arith.cmpf oeq, %select_n3A_63, %eq3A_71 : vector<32x2048xf32>
    %jit3A_73 = arith.constant 2147483647 : i32
    %broadcast_in_dim3A_74 = vector.broadcast %jit3A_73 : i32 to vector<32x2048xi32>
    %select_n3A_75 = arith.select %eq3A_72, %get3A_4, %broadcast_in_dim3A_74 : vector<32x2048xi1>, vector<32x2048xi32>
    %reduce_min3A_76 = vector.shape_cast %select_n3A_75 : vector<32x2048xi32> to vector<1x32x2048xi32>
    %reduce_min3A_77 = arith.constant dense<2147483647> : vector<1xi32>
    %reduce_min3A_78 = vector.multi_reduction <minsi>, %reduce_min3A_76, %reduce_min3A_77 [1, 2] : vector<1x32x2048xi32> to vector<1xi32>
    %reduce_min3A_79 = vector.shape_cast %reduce_min3A_78 : vector<1xi32> to vector<1x1x1xi32>
    %reduce_min3A_80 = vector.extract %reduce_min3A_79[0, 0, 0] : i32 from vector<1x1x1xi32>
    %eq3A_81 = vector.broadcast %reduce_min3A_80 : i32 to vector<32x2048xi32>
    %eq3A_82 = arith.cmpi eq, %get3A_4, %eq3A_81 : vector<32x2048xi32>
    %and3A_83 = arith.andi %eq3A_72, %eq3A_82 : vector<32x2048xi1>
    %jit3A_84 = arith.constant 0xFF800000 : f32
    %broadcast_in_dim3A_85 = vector.broadcast %jit3A_84 : f32 to vector<32x2048xf32>
    %select_n3A_86 = arith.select %and3A_83, %broadcast_in_dim3A_85, %select_n3A_63 : vector<32x2048xi1>, vector<32x2048xf32>
    %min3A_87 = arith.constant 999999 : i32
    %min3A_88 = arith.minsi %reduce_min3A_80, %min3A_87 : i32
    %reduce_max3A_89 = vector.shape_cast %select_n3A_86 : vector<32x2048xf32> to vector<1x32x2048xf32>
    %reduce_max3A_90 = arith.constant dense<0xFF800000> : vector<1xf32>
    %reduce_max3A_91 = vector.multi_reduction <maximumf>, %reduce_max3A_89, %reduce_max3A_90 [1, 2] : vector<1x32x2048xf32> to vector<1xf32>
    %reduce_max3A_92 = vector.shape_cast %reduce_max3A_91 : vector<1xf32> to vector<1x1x1xf32>
    %reduce_max3A_93 = vector.extract %reduce_max3A_92[0, 0, 0] : f32 from vector<1x1x1xf32>
    %eq3A_94 = vector.broadcast %reduce_max3A_93 : f32 to vector<32x2048xf32>
    %eq3A_95 = arith.cmpf oeq, %select_n3A_86, %eq3A_94 : vector<32x2048xf32>
    %jit3A_96 = arith.constant 2147483647 : i32
    %broadcast_in_dim3A_97 = vector.broadcast %jit3A_96 : i32 to vector<32x2048xi32>
    %select_n3A_98 = arith.select %eq3A_95, %get3A_4, %broadcast_in_dim3A_97 : vector<32x2048xi1>, vector<32x2048xi32>
    %reduce_min3A_99 = vector.shape_cast %select_n3A_98 : vector<32x2048xi32> to vector<1x32x2048xi32>
    %reduce_min3A_100 = arith.constant dense<2147483647> : vector<1xi32>
    %reduce_min3A_101 = vector.multi_reduction <minsi>, %reduce_min3A_99, %reduce_min3A_100 [1, 2] : vector<1x32x2048xi32> to vector<1xi32>
    %reduce_min3A_102 = vector.shape_cast %reduce_min3A_101 : vector<1xi32> to vector<1x1x1xi32>
    %reduce_min3A_103 = vector.extract %reduce_min3A_102[0, 0, 0] : i32 from vector<1x1x1xi32>
    %eq3A_104 = vector.broadcast %reduce_min3A_103 : i32 to vector<32x2048xi32>
    %eq3A_105 = arith.cmpi eq, %get3A_4, %eq3A_104 : vector<32x2048xi32>
    %and3A_106 = arith.andi %eq3A_95, %eq3A_105 : vector<32x2048xi1>
    %jit3A_107 = arith.constant 0xFF800000 : f32
    %broadcast_in_dim3A_108 = vector.broadcast %jit3A_107 : f32 to vector<32x2048xf32>
    %select_n3A_109 = arith.select %and3A_106, %broadcast_in_dim3A_108, %select_n3A_86 : vector<32x2048xi1>, vector<32x2048xf32>
    %min3A_110 = arith.constant 999999 : i32
    %min3A_111 = arith.minsi %reduce_min3A_103, %min3A_110 : i32
    %reduce_max3A_112 = vector.shape_cast %select_n3A_109 : vector<32x2048xf32> to vector<1x32x2048xf32>
    %reduce_max3A_113 = arith.constant dense<0xFF800000> : vector<1xf32>
    %reduce_max3A_114 = vector.multi_reduction <maximumf>, %reduce_max3A_112, %reduce_max3A_113 [1, 2] : vector<1x32x2048xf32> to vector<1xf32>
    %reduce_max3A_115 = vector.shape_cast %reduce_max3A_114 : vector<1xf32> to vector<1x1x1xf32>
    %reduce_max3A_116 = vector.extract %reduce_max3A_115[0, 0, 0] : f32 from vector<1x1x1xf32>
    %eq3A_117 = vector.broadcast %reduce_max3A_116 : f32 to vector<32x2048xf32>
    %eq3A_118 = arith.cmpf oeq, %select_n3A_109, %eq3A_117 : vector<32x2048xf32>
    %jit3A_119 = arith.constant 2147483647 : i32
    %broadcast_in_dim3A_120 = vector.broadcast %jit3A_119 : i32 to vector<32x2048xi32>
    %select_n3A_121 = arith.select %eq3A_118, %get3A_4, %broadcast_in_dim3A_120 : vector<32x2048xi1>, vector<32x2048xi32>
    %reduce_min3A_122 = vector.shape_cast %select_n3A_121 : vector<32x2048xi32> to vector<1x32x2048xi32>
    %reduce_min3A_123 = arith.constant dense<2147483647> : vector<1xi32>
    %reduce_min3A_124 = vector.multi_reduction <minsi>, %reduce_min3A_122, %reduce_min3A_123 [1, 2] : vector<1x32x2048xi32> to vector<1xi32>
    %reduce_min3A_125 = vector.shape_cast %reduce_min3A_124 : vector<1xi32> to vector<1x1x1xi32>
    %reduce_min3A_126 = vector.extract %reduce_min3A_125[0, 0, 0] : i32 from vector<1x1x1xi32>
    %eq3A_127 = vector.broadcast %reduce_min3A_126 : i32 to vector<32x2048xi32>
    %eq3A_128 = arith.cmpi eq, %get3A_4, %eq3A_127 : vector<32x2048xi32>
    %and3A_129 = arith.andi %eq3A_118, %eq3A_128 : vector<32x2048xi1>
    %jit3A_130 = arith.constant 0xFF800000 : f32
    %broadcast_in_dim3A_131 = vector.broadcast %jit3A_130 : f32 to vector<32x2048xf32>
    %select_n3A_132 = arith.select %and3A_129, %broadcast_in_dim3A_131, %select_n3A_109 : vector<32x2048xi1>, vector<32x2048xf32>
    %min3A_133 = arith.constant 999999 : i32
    %min3A_134 = arith.minsi %reduce_min3A_126, %min3A_133 : i32
    %reduce_max3A_135 = vector.shape_cast %select_n3A_132 : vector<32x2048xf32> to vector<1x32x2048xf32>
    %reduce_max3A_136 = arith.constant dense<0xFF800000> : vector<1xf32>
    %reduce_max3A_137 = vector.multi_reduction <maximumf>, %reduce_max3A_135, %reduce_max3A_136 [1, 2] : vector<1x32x2048xf32> to vector<1xf32>
    %reduce_max3A_138 = vector.shape_cast %reduce_max3A_137 : vector<1xf32> to vector<1x1x1xf32>
    %reduce_max3A_139 = vector.extract %reduce_max3A_138[0, 0, 0] : f32 from vector<1x1x1xf32>
    %eq3A_140 = vector.broadcast %reduce_max3A_139 : f32 to vector<32x2048xf32>
    %eq3A_141 = arith.cmpf oeq, %select_n3A_132, %eq3A_140 : vector<32x2048xf32>
    %jit3A_142 = arith.constant 2147483647 : i32
    %broadcast_in_dim3A_143 = vector.broadcast %jit3A_142 : i32 to vector<32x2048xi32>
    %select_n3A_144 = arith.select %eq3A_141, %get3A_4, %broadcast_in_dim3A_143 : vector<32x2048xi1>, vector<32x2048xi32>
    %reduce_min3A_145 = vector.shape_cast %select_n3A_144 : vector<32x2048xi32> to vector<1x32x2048xi32>
    %reduce_min3A_146 = arith.constant dense<2147483647> : vector<1xi32>
    %reduce_min3A_147 = vector.multi_reduction <minsi>, %reduce_min3A_145, %reduce_min3A_146 [1, 2] : vector<1x32x2048xi32> to vector<1xi32>
    %reduce_min3A_148 = vector.shape_cast %reduce_min3A_147 : vector<1xi32> to vector<1x1x1xi32>
    %reduce_min3A_149 = vector.extract %reduce_min3A_148[0, 0, 0] : i32 from vector<1x1x1xi32>
    %eq3A_150 = vector.broadcast %reduce_min3A_149 : i32 to vector<32x2048xi32>
    %eq3A_151 = arith.cmpi eq, %get3A_4, %eq3A_150 : vector<32x2048xi32>
    %and3A_152 = arith.andi %eq3A_141, %eq3A_151 : vector<32x2048xi1>
    %jit3A_153 = arith.constant 0xFF800000 : f32
    %broadcast_in_dim3A_154 = vector.broadcast %jit3A_153 : f32 to vector<32x2048xf32>
    %select_n3A_155 = arith.select %and3A_152, %broadcast_in_dim3A_154, %select_n3A_132 : vector<32x2048xi1>, vector<32x2048xf32>
    %min3A_156 = arith.constant 999999 : i32
    %min3A_157 = arith.minsi %reduce_min3A_149, %min3A_156 : i32
    %reduce_max3A_158 = vector.shape_cast %select_n3A_155 : vector<32x2048xf32> to vector<1x32x2048xf32>
    %reduce_max3A_159 = arith.constant dense<0xFF800000> : vector<1xf32>
    %reduce_max3A_160 = vector.multi_reduction <maximumf>, %reduce_max3A_158, %reduce_max3A_159 [1, 2] : vector<1x32x2048xf32> to vector<1xf32>
    %reduce_max3A_161 = vector.shape_cast %reduce_max3A_160 : vector<1xf32> to vector<1x1x1xf32>
    %reduce_max3A_162 = vector.extract %reduce_max3A_161[0, 0, 0] : f32 from vector<1x1x1xf32>
    %eq3A_163 = vector.broadcast %reduce_max3A_162 : f32 to vector<32x2048xf32>
    %eq3A_164 = arith.cmpf oeq, %select_n3A_155, %eq3A_163 : vector<32x2048xf32>
    %jit3A_165 = arith.constant 2147483647 : i32
    %broadcast_in_dim3A_166 = vector.broadcast %jit3A_165 : i32 to vector<32x2048xi32>
    %select_n3A_167 = arith.select %eq3A_164, %get3A_4, %broadcast_in_dim3A_166 : vector<32x2048xi1>, vector<32x2048xi32>
    %reduce_min3A_168 = vector.shape_cast %select_n3A_167 : vector<32x2048xi32> to vector<1x32x2048xi32>
    %reduce_min3A_169 = arith.constant dense<2147483647> : vector<1xi32>
    %reduce_min3A_170 = vector.multi_reduction <minsi>, %reduce_min3A_168, %reduce_min3A_169 [1, 2] : vector<1x32x2048xi32> to vector<1xi32>
    %reduce_min3A_171 = vector.shape_cast %reduce_min3A_170 : vector<1xi32> to vector<1x1x1xi32>
    %reduce_min3A_172 = vector.extract %reduce_min3A_171[0, 0, 0] : i32 from vector<1x1x1xi32>
    %eq3A_173 = vector.broadcast %reduce_min3A_172 : i32 to vector<32x2048xi32>
    %eq3A_174 = arith.cmpi eq, %get3A_4, %eq3A_173 : vector<32x2048xi32>
    %and3A_175 = arith.andi %eq3A_164, %eq3A_174 : vector<32x2048xi1>
    %jit3A_176 = arith.constant 0xFF800000 : f32
    %broadcast_in_dim3A_177 = vector.broadcast %jit3A_176 : f32 to vector<32x2048xf32>
    %select_n3A_178 = arith.select %and3A_175, %broadcast_in_dim3A_177, %select_n3A_155 : vector<32x2048xi1>, vector<32x2048xf32>
    %min3A_179 = arith.constant 999999 : i32
    %min3A_180 = arith.minsi %reduce_min3A_172, %min3A_179 : i32
    %reduce_max3A_181 = vector.shape_cast %select_n3A_178 : vector<32x2048xf32> to vector<1x32x2048xf32>
    %reduce_max3A_182 = arith.constant dense<0xFF800000> : vector<1xf32>
    %reduce_max3A_183 = vector.multi_reduction <maximumf>, %reduce_max3A_181, %reduce_max3A_182 [1, 2] : vector<1x32x2048xf32> to vector<1xf32>
    %reduce_max3A_184 = vector.shape_cast %reduce_max3A_183 : vector<1xf32> to vector<1x1x1xf32>
    %reduce_max3A_185 = vector.extract %reduce_max3A_184[0, 0, 0] : f32 from vector<1x1x1xf32>
    %eq3A_186 = vector.broadcast %reduce_max3A_185 : f32 to vector<32x2048xf32>
    %eq3A_187 = arith.cmpf oeq, %select_n3A_178, %eq3A_186 : vector<32x2048xf32>
    %jit3A_188 = arith.constant 2147483647 : i32
    %broadcast_in_dim3A_189 = vector.broadcast %jit3A_188 : i32 to vector<32x2048xi32>
    %select_n3A_190 = arith.select %eq3A_187, %get3A_4, %broadcast_in_dim3A_189 : vector<32x2048xi1>, vector<32x2048xi32>
    %reduce_min3A_191 = vector.shape_cast %select_n3A_190 : vector<32x2048xi32> to vector<1x32x2048xi32>
    %reduce_min3A_192 = arith.constant dense<2147483647> : vector<1xi32>
    %reduce_min3A_193 = vector.multi_reduction <minsi>, %reduce_min3A_191, %reduce_min3A_192 [1, 2] : vector<1x32x2048xi32> to vector<1xi32>
    %reduce_min3A_194 = vector.shape_cast %reduce_min3A_193 : vector<1xi32> to vector<1x1x1xi32>
    %reduce_min3A_195 = vector.extract %reduce_min3A_194[0, 0, 0] : i32 from vector<1x1x1xi32>
    %eq3A_196 = vector.broadcast %reduce_min3A_195 : i32 to vector<32x2048xi32>
    %eq3A_197 = arith.cmpi eq, %get3A_4, %eq3A_196 : vector<32x2048xi32>
    %and3A_198 = arith.andi %eq3A_187, %eq3A_197 : vector<32x2048xi1>
    %jit3A_199 = arith.constant 0xFF800000 : f32
    %broadcast_in_dim3A_200 = vector.broadcast %jit3A_199 : f32 to vector<32x2048xf32>
    %select_n3A_201 = arith.select %and3A_198, %broadcast_in_dim3A_200, %select_n3A_178 : vector<32x2048xi1>, vector<32x2048xf32>
    %min3A_202 = arith.constant 999999 : i32
    %min3A_203 = arith.minsi %reduce_min3A_195, %min3A_202 : i32
    %reduce_max3A_204 = vector.shape_cast %select_n3A_201 : vector<32x2048xf32> to vector<1x32x2048xf32>
    %reduce_max3A_205 = arith.constant dense<0xFF800000> : vector<1xf32>
    %reduce_max3A_206 = vector.multi_reduction <maximumf>, %reduce_max3A_204, %reduce_max3A_205 [1, 2] : vector<1x32x2048xf32> to vector<1xf32>
    %reduce_max3A_207 = vector.shape_cast %reduce_max3A_206 : vector<1xf32> to vector<1x1x1xf32>
    %reduce_max3A_208 = vector.extract %reduce_max3A_207[0, 0, 0] : f32 from vector<1x1x1xf32>
    %eq3A_209 = vector.broadcast %reduce_max3A_208 : f32 to vector<32x2048xf32>
    %eq3A_210 = arith.cmpf oeq, %select_n3A_201, %eq3A_209 : vector<32x2048xf32>
    %jit3A_211 = arith.constant 2147483647 : i32
    %broadcast_in_dim3A_212 = vector.broadcast %jit3A_211 : i32 to vector<32x2048xi32>
    %select_n3A_213 = arith.select %eq3A_210, %get3A_4, %broadcast_in_dim3A_212 : vector<32x2048xi1>, vector<32x2048xi32>
    %reduce_min3A_214 = vector.shape_cast %select_n3A_213 : vector<32x2048xi32> to vector<1x32x2048xi32>
    %reduce_min3A_215 = arith.constant dense<2147483647> : vector<1xi32>
    %reduce_min3A_216 = vector.multi_reduction <minsi>, %reduce_min3A_214, %reduce_min3A_215 [1, 2] : vector<1x32x2048xi32> to vector<1xi32>
    %reduce_min3A_217 = vector.shape_cast %reduce_min3A_216 : vector<1xi32> to vector<1x1x1xi32>
    %reduce_min3A_218 = vector.extract %reduce_min3A_217[0, 0, 0] : i32 from vector<1x1x1xi32>
    %eq3A_219 = vector.broadcast %reduce_min3A_218 : i32 to vector<32x2048xi32>
    %eq3A_220 = arith.cmpi eq, %get3A_4, %eq3A_219 : vector<32x2048xi32>
    %and3A_221 = arith.andi %eq3A_210, %eq3A_220 : vector<32x2048xi1>
    %jit3A_222 = arith.constant 0xFF800000 : f32
    %broadcast_in_dim3A_223 = vector.broadcast %jit3A_222 : f32 to vector<32x2048xf32>
    %select_n3A_224 = arith.select %and3A_221, %broadcast_in_dim3A_223, %select_n3A_201 : vector<32x2048xi1>, vector<32x2048xf32>
    %min3A_225 = arith.constant 999999 : i32
    %min3A_226 = arith.minsi %reduce_min3A_218, %min3A_225 : i32
    %reduce_max3A_227 = vector.shape_cast %select_n3A_224 : vector<32x2048xf32> to vector<1x32x2048xf32>
    %reduce_max3A_228 = arith.constant dense<0xFF800000> : vector<1xf32>
    %reduce_max3A_229 = vector.multi_reduction <maximumf>, %reduce_max3A_227, %reduce_max3A_228 [1, 2] : vector<1x32x2048xf32> to vector<1xf32>
    %reduce_max3A_230 = vector.shape_cast %reduce_max3A_229 : vector<1xf32> to vector<1x1x1xf32>
    %reduce_max3A_231 = vector.extract %reduce_max3A_230[0, 0, 0] : f32 from vector<1x1x1xf32>
    %eq3A_232 = vector.broadcast %reduce_max3A_231 : f32 to vector<32x2048xf32>
    %eq3A_233 = arith.cmpf oeq, %select_n3A_224, %eq3A_232 : vector<32x2048xf32>
    %jit3A_234 = arith.constant 2147483647 : i32
    %broadcast_in_dim3A_235 = vector.broadcast %jit3A_234 : i32 to vector<32x2048xi32>
    %select_n3A_236 = arith.select %eq3A_233, %get3A_4, %broadcast_in_dim3A_235 : vector<32x2048xi1>, vector<32x2048xi32>
    %reduce_min3A_237 = vector.shape_cast %select_n3A_236 : vector<32x2048xi32> to vector<1x32x2048xi32>
    %reduce_min3A_238 = arith.constant dense<2147483647> : vector<1xi32>
    %reduce_min3A_239 = vector.multi_reduction <minsi>, %reduce_min3A_237, %reduce_min3A_238 [1, 2] : vector<1x32x2048xi32> to vector<1xi32>
    %reduce_min3A_240 = vector.shape_cast %reduce_min3A_239 : vector<1xi32> to vector<1x1x1xi32>
    %reduce_min3A_241 = vector.extract %reduce_min3A_240[0, 0, 0] : i32 from vector<1x1x1xi32>
    %eq3A_242 = vector.broadcast %reduce_min3A_241 : i32 to vector<32x2048xi32>
    %eq3A_243 = arith.cmpi eq, %get3A_4, %eq3A_242 : vector<32x2048xi32>
    %and3A_244 = arith.andi %eq3A_233, %eq3A_243 : vector<32x2048xi1>
    %jit3A_245 = arith.constant 0xFF800000 : f32
    %broadcast_in_dim3A_246 = vector.broadcast %jit3A_245 : f32 to vector<32x2048xf32>
    %select_n3A_247 = arith.select %and3A_244, %broadcast_in_dim3A_246, %select_n3A_224 : vector<32x2048xi1>, vector<32x2048xf32>
    %min3A_248 = arith.constant 999999 : i32
    %min3A_249 = arith.minsi %reduce_min3A_241, %min3A_248 : i32
    %reduce_max3A_250 = vector.shape_cast %select_n3A_247 : vector<32x2048xf32> to vector<1x32x2048xf32>
    %reduce_max3A_251 = arith.constant dense<0xFF800000> : vector<1xf32>
    %reduce_max3A_252 = vector.multi_reduction <maximumf>, %reduce_max3A_250, %reduce_max3A_251 [1, 2] : vector<1x32x2048xf32> to vector<1xf32>
    %reduce_max3A_253 = vector.shape_cast %reduce_max3A_252 : vector<1xf32> to vector<1x1x1xf32>
    %reduce_max3A_254 = vector.extract %reduce_max3A_253[0, 0, 0] : f32 from vector<1x1x1xf32>
    %eq3A_255 = vector.broadcast %reduce_max3A_254 : f32 to vector<32x2048xf32>
    %eq3A_256 = arith.cmpf oeq, %select_n3A_247, %eq3A_255 : vector<32x2048xf32>
    %jit3A_257 = arith.constant 2147483647 : i32
    %broadcast_in_dim3A_258 = vector.broadcast %jit3A_257 : i32 to vector<32x2048xi32>
    %select_n3A_259 = arith.select %eq3A_256, %get3A_4, %broadcast_in_dim3A_258 : vector<32x2048xi1>, vector<32x2048xi32>
    %reduce_min3A_260 = vector.shape_cast %select_n3A_259 : vector<32x2048xi32> to vector<1x32x2048xi32>
    %reduce_min3A_261 = arith.constant dense<2147483647> : vector<1xi32>
    %reduce_min3A_262 = vector.multi_reduction <minsi>, %reduce_min3A_260, %reduce_min3A_261 [1, 2] : vector<1x32x2048xi32> to vector<1xi32>
    %reduce_min3A_263 = vector.shape_cast %reduce_min3A_262 : vector<1xi32> to vector<1x1x1xi32>
    %reduce_min3A_264 = vector.extract %reduce_min3A_263[0, 0, 0] : i32 from vector<1x1x1xi32>
    %min3A_265 = arith.constant 999999 : i32
    %min3A_266 = arith.minsi %reduce_min3A_264, %min3A_265 : i32
    %jit3A_267 = arith.constant 128 : i32
    %div3A = arith.divsi %min3A_19, %jit3A_267 : i32
    %sign3A = arith.constant 0 : i32
    %sign3A_268 = arith.cmpi sgt, %min3A_19, %sign3A : i32
    %sign3A_269 = arith.extui %sign3A_268 : i1 to i32
    %sign3A_270 = arith.constant 0 : i32
    %sign3A_271 = arith.cmpi slt, %min3A_19, %sign3A_270 : i32
    %sign3A_272 = arith.extui %sign3A_271 : i1 to i32
    %sign3A_273 = arith.subi %sign3A_269, %sign3A_272 : i32
    %sign3A_274 = arith.constant 0 : i32
    %sign3A_275 = arith.cmpi sgt, %jit3A_267, %sign3A_274 : i32
    %sign3A_276 = arith.extui %sign3A_275 : i1 to i32
    %sign3A_277 = arith.constant 0 : i32
    %sign3A_278 = arith.cmpi slt, %jit3A_267, %sign3A_277 : i32
    %sign3A_279 = arith.extui %sign3A_278 : i1 to i32
    %sign3A_280 = arith.subi %sign3A_276, %sign3A_279 : i32
    %ne3A = arith.cmpi ne, %sign3A_273, %sign3A_280 : i32
    %rem3A = arith.remsi %min3A_19, %jit3A_267 : i32
    %ne3A_281 = arith.constant 0 : i32
    %ne3A_282 = arith.cmpi ne, %rem3A, %ne3A_281 : i32
    %and3A_283 = arith.andi %ne3A, %ne3A_282 : i1
    %sub3A = arith.constant 1 : i32
    %sub3A_284 = arith.subi %div3A, %sub3A : i32
    %select_n3A_285 = arith.select %and3A_283, %sub3A_284, %div3A : i32
    %mul3A = arith.constant 128 : i32
    %mul3A_286 = arith.muli %select_n3A_285, %mul3A : i32
    %sub3A_287 = arith.subi %min3A_19, %mul3A_286 : i32
    %dma_start3A = arith.constant 0 : i32
    %dma_start3A_288 = arith.constant 0 : i32
    %dma_start3A_289 = arith.constant 0 : i32
    %dma_start3A_290 = tpu.memref_slice %arg6[%dma_start3A, %dma_start3A_288, %dma_start3A_289] : memref<12x3x128xf32, #tpu.memory_space<smem>> -> memref<1x3x128xf32, #tpu.memory_space<smem>>
    %dma_start3A_291 = tpu.memref_squeeze %dma_start3A_290 : memref<1x3x128xf32, #tpu.memory_space<smem>> -> memref<3x128xf32, #tpu.memory_space<smem>>
    %dma_start3A_292 = arith.constant 0 : i32
    %dma_start3A_293 = tpu.memref_slice %arg2[%dma_start3A_292, %mul3A_286] : memref<3x1000000xf32, #tpu.memory_space<any>> -> memref<3x128xf32, #tpu.memory_space<any>>
    tpu.enqueue_dma source(%dma_start3A_293 : memref<3x128xf32, #tpu.memory_space<any>>) target(%dma_start3A_291 : memref<3x128xf32, #tpu.memory_space<smem>>) target_semaphore(%arg5 : memref<!tpu.dma_semaphore, #tpu.memory_space<semaphore_mem>>)
    %jit3A_294 = arith.constant 128 : i32
    %div3A_295 = arith.divsi %min3A_42, %jit3A_294 : i32
    %sign3A_296 = arith.constant 0 : i32
    %sign3A_297 = arith.cmpi sgt, %min3A_42, %sign3A_296 : i32
    %sign3A_298 = arith.extui %sign3A_297 : i1 to i32
    %sign3A_299 = arith.constant 0 : i32
    %sign3A_300 = arith.cmpi slt, %min3A_42, %sign3A_299 : i32
    %sign3A_301 = arith.extui %sign3A_300 : i1 to i32
    %sign3A_302 = arith.subi %sign3A_298, %sign3A_301 : i32
    %sign3A_303 = arith.constant 0 : i32
    %sign3A_304 = arith.cmpi sgt, %jit3A_294, %sign3A_303 : i32
    %sign3A_305 = arith.extui %sign3A_304 : i1 to i32
    %sign3A_306 = arith.constant 0 : i32
    %sign3A_307 = arith.cmpi slt, %jit3A_294, %sign3A_306 : i32
    %sign3A_308 = arith.extui %sign3A_307 : i1 to i32
    %sign3A_309 = arith.subi %sign3A_305, %sign3A_308 : i32
    %ne3A_310 = arith.cmpi ne, %sign3A_302, %sign3A_309 : i32
    %rem3A_311 = arith.remsi %min3A_42, %jit3A_294 : i32
    %ne3A_312 = arith.constant 0 : i32
    %ne3A_313 = arith.cmpi ne, %rem3A_311, %ne3A_312 : i32
    %and3A_314 = arith.andi %ne3A_310, %ne3A_313 : i1
    %sub3A_315 = arith.constant 1 : i32
    %sub3A_316 = arith.subi %div3A_295, %sub3A_315 : i32
    %select_n3A_317 = arith.select %and3A_314, %sub3A_316, %div3A_295 : i32
    %mul3A_318 = arith.constant 128 : i32
    %mul3A_319 = arith.muli %select_n3A_317, %mul3A_318 : i32
    %sub3A_320 = arith.subi %min3A_42, %mul3A_319 : i32
    %dma_start3A_321 = arith.constant 1 : i32
    %dma_start3A_322 = arith.constant 0 : i32
    %dma_start3A_323 = arith.constant 0 : i32
    %dma_start3A_324 = tpu.memref_slice %arg6[%dma_start3A_321, %dma_start3A_322, %dma_start3A_323] : memref<12x3x128xf32, #tpu.memory_space<smem>> -> memref<1x3x128xf32, #tpu.memory_space<smem>>
    %dma_start3A_325 = tpu.memref_squeeze %dma_start3A_324 : memref<1x3x128xf32, #tpu.memory_space<smem>> -> memref<3x128xf32, #tpu.memory_space<smem>>
    %dma_start3A_326 = arith.constant 0 : i32
    %dma_start3A_327 = tpu.memref_slice %arg2[%dma_start3A_326, %mul3A_319] : memref<3x1000000xf32, #tpu.memory_space<any>> -> memref<3x128xf32, #tpu.memory_space<any>>
    tpu.enqueue_dma source(%dma_start3A_327 : memref<3x128xf32, #tpu.memory_space<any>>) target(%dma_start3A_325 : memref<3x128xf32, #tpu.memory_space<smem>>) target_semaphore(%arg5 : memref<!tpu.dma_semaphore, #tpu.memory_space<semaphore_mem>>)
    %jit3A_328 = arith.constant 128 : i32
    %div3A_329 = arith.divsi %min3A_65, %jit3A_328 : i32
    %sign3A_330 = arith.constant 0 : i32
    %sign3A_331 = arith.cmpi sgt, %min3A_65, %sign3A_330 : i32
    %sign3A_332 = arith.extui %sign3A_331 : i1 to i32
    %sign3A_333 = arith.constant 0 : i32
    %sign3A_334 = arith.cmpi slt, %min3A_65, %sign3A_333 : i32
    %sign3A_335 = arith.extui %sign3A_334 : i1 to i32
    %sign3A_336 = arith.subi %sign3A_332, %sign3A_335 : i32
    %sign3A_337 = arith.constant 0 : i32
    %sign3A_338 = arith.cmpi sgt, %jit3A_328, %sign3A_337 : i32
    %sign3A_339 = arith.extui %sign3A_338 : i1 to i32
    %sign3A_340 = arith.constant 0 : i32
    %sign3A_341 = arith.cmpi slt, %jit3A_328, %sign3A_340 : i32
    %sign3A_342 = arith.extui %sign3A_341 : i1 to i32
    %sign3A_343 = arith.subi %sign3A_339, %sign3A_342 : i32
    %ne3A_344 = arith.cmpi ne, %sign3A_336, %sign3A_343 : i32
    %rem3A_345 = arith.remsi %min3A_65, %jit3A_328 : i32
    %ne3A_346 = arith.constant 0 : i32
    %ne3A_347 = arith.cmpi ne, %rem3A_345, %ne3A_346 : i32
    %and3A_348 = arith.andi %ne3A_344, %ne3A_347 : i1
    %sub3A_349 = arith.constant 1 : i32
    %sub3A_350 = arith.subi %div3A_329, %sub3A_349 : i32
    %select_n3A_351 = arith.select %and3A_348, %sub3A_350, %div3A_329 : i32
    %mul3A_352 = arith.constant 128 : i32
    %mul3A_353 = arith.muli %select_n3A_351, %mul3A_352 : i32
    %sub3A_354 = arith.subi %min3A_65, %mul3A_353 : i32
    %dma_start3A_355 = arith.constant 2 : i32
    %dma_start3A_356 = arith.constant 0 : i32
    %dma_start3A_357 = arith.constant 0 : i32
    %dma_start3A_358 = tpu.memref_slice %arg6[%dma_start3A_355, %dma_start3A_356, %dma_start3A_357] : memref<12x3x128xf32, #tpu.memory_space<smem>> -> memref<1x3x128xf32, #tpu.memory_space<smem>>
    %dma_start3A_359 = tpu.memref_squeeze %dma_start3A_358 : memref<1x3x128xf32, #tpu.memory_space<smem>> -> memref<3x128xf32, #tpu.memory_space<smem>>
    %dma_start3A_360 = arith.constant 0 : i32
    %dma_start3A_361 = tpu.memref_slice %arg2[%dma_start3A_360, %mul3A_353] : memref<3x1000000xf32, #tpu.memory_space<any>> -> memref<3x128xf32, #tpu.memory_space<any>>
    tpu.enqueue_dma source(%dma_start3A_361 : memref<3x128xf32, #tpu.memory_space<any>>) target(%dma_start3A_359 : memref<3x128xf32, #tpu.memory_space<smem>>) target_semaphore(%arg5 : memref<!tpu.dma_semaphore, #tpu.memory_space<semaphore_mem>>)
    %jit3A_362 = arith.constant 128 : i32
    %div3A_363 = arith.divsi %min3A_88, %jit3A_362 : i32
    %sign3A_364 = arith.constant 0 : i32
    %sign3A_365 = arith.cmpi sgt, %min3A_88, %sign3A_364 : i32
    %sign3A_366 = arith.extui %sign3A_365 : i1 to i32
    %sign3A_367 = arith.constant 0 : i32
    %sign3A_368 = arith.cmpi slt, %min3A_88, %sign3A_367 : i32
    %sign3A_369 = arith.extui %sign3A_368 : i1 to i32
    %sign3A_370 = arith.subi %sign3A_366, %sign3A_369 : i32
    %sign3A_371 = arith.constant 0 : i32
    %sign3A_372 = arith.cmpi sgt, %jit3A_362, %sign3A_371 : i32
    %sign3A_373 = arith.extui %sign3A_372 : i1 to i32
    %sign3A_374 = arith.constant 0 : i32
    %sign3A_375 = arith.cmpi slt, %jit3A_362, %sign3A_374 : i32
    %sign3A_376 = arith.extui %sign3A_375 : i1 to i32
    %sign3A_377 = arith.subi %sign3A_373, %sign3A_376 : i32
    %ne3A_378 = arith.cmpi ne, %sign3A_370, %sign3A_377 : i32
    %rem3A_379 = arith.remsi %min3A_88, %jit3A_362 : i32
    %ne3A_380 = arith.constant 0 : i32
    %ne3A_381 = arith.cmpi ne, %rem3A_379, %ne3A_380 : i32
    %and3A_382 = arith.andi %ne3A_378, %ne3A_381 : i1
    %sub3A_383 = arith.constant 1 : i32
    %sub3A_384 = arith.subi %div3A_363, %sub3A_383 : i32
    %select_n3A_385 = arith.select %and3A_382, %sub3A_384, %div3A_363 : i32
    %mul3A_386 = arith.constant 128 : i32
    %mul3A_387 = arith.muli %select_n3A_385, %mul3A_386 : i32
    %sub3A_388 = arith.subi %min3A_88, %mul3A_387 : i32
    %dma_start3A_389 = arith.constant 3 : i32
    %dma_start3A_390 = arith.constant 0 : i32
    %dma_start3A_391 = arith.constant 0 : i32
    %dma_start3A_392 = tpu.memref_slice %arg6[%dma_start3A_389, %dma_start3A_390, %dma_start3A_391] : memref<12x3x128xf32, #tpu.memory_space<smem>> -> memref<1x3x128xf32, #tpu.memory_space<smem>>
    %dma_start3A_393 = tpu.memref_squeeze %dma_start3A_392 : memref<1x3x128xf32, #tpu.memory_space<smem>> -> memref<3x128xf32, #tpu.memory_space<smem>>
    %dma_start3A_394 = arith.constant 0 : i32
    %dma_start3A_395 = tpu.memref_slice %arg2[%dma_start3A_394, %mul3A_387] : memref<3x1000000xf32, #tpu.memory_space<any>> -> memref<3x128xf32, #tpu.memory_space<any>>
    tpu.enqueue_dma source(%dma_start3A_395 : memref<3x128xf32, #tpu.memory_space<any>>) target(%dma_start3A_393 : memref<3x128xf32, #tpu.memory_space<smem>>) target_semaphore(%arg5 : memref<!tpu.dma_semaphore, #tpu.memory_space<semaphore_mem>>)
    %jit3A_396 = arith.constant 128 : i32
    %div3A_397 = arith.divsi %min3A_111, %jit3A_396 : i32
    %sign3A_398 = arith.constant 0 : i32
    %sign3A_399 = arith.cmpi sgt, %min3A_111, %sign3A_398 : i32
    %sign3A_400 = arith.extui %sign3A_399 : i1 to i32
    %sign3A_401 = arith.constant 0 : i32
    %sign3A_402 = arith.cmpi slt, %min3A_111, %sign3A_401 : i32
    %sign3A_403 = arith.extui %sign3A_402 : i1 to i32
    %sign3A_404 = arith.subi %sign3A_400, %sign3A_403 : i32
    %sign3A_405 = arith.constant 0 : i32
    %sign3A_406 = arith.cmpi sgt, %jit3A_396, %sign3A_405 : i32
    %sign3A_407 = arith.extui %sign3A_406 : i1 to i32
    %sign3A_408 = arith.constant 0 : i32
    %sign3A_409 = arith.cmpi slt, %jit3A_396, %sign3A_408 : i32
    %sign3A_410 = arith.extui %sign3A_409 : i1 to i32
    %sign3A_411 = arith.subi %sign3A_407, %sign3A_410 : i32
    %ne3A_412 = arith.cmpi ne, %sign3A_404, %sign3A_411 : i32
    %rem3A_413 = arith.remsi %min3A_111, %jit3A_396 : i32
    %ne3A_414 = arith.constant 0 : i32
    %ne3A_415 = arith.cmpi ne, %rem3A_413, %ne3A_414 : i32
    %and3A_416 = arith.andi %ne3A_412, %ne3A_415 : i1
    %sub3A_417 = arith.constant 1 : i32
    %sub3A_418 = arith.subi %div3A_397, %sub3A_417 : i32
    %select_n3A_419 = arith.select %and3A_416, %sub3A_418, %div3A_397 : i32
    %mul3A_420 = arith.constant 128 : i32
    %mul3A_421 = arith.muli %select_n3A_419, %mul3A_420 : i32
    %sub3A_422 = arith.subi %min3A_111, %mul3A_421 : i32
    %dma_start3A_423 = arith.constant 4 : i32
    %dma_start3A_424 = arith.constant 0 : i32
    %dma_start3A_425 = arith.constant 0 : i32
    %dma_start3A_426 = tpu.memref_slice %arg6[%dma_start3A_423, %dma_start3A_424, %dma_start3A_425] : memref<12x3x128xf32, #tpu.memory_space<smem>> -> memref<1x3x128xf32, #tpu.memory_space<smem>>
    %dma_start3A_427 = tpu.memref_squeeze %dma_start3A_426 : memref<1x3x128xf32, #tpu.memory_space<smem>> -> memref<3x128xf32, #tpu.memory_space<smem>>
    %dma_start3A_428 = arith.constant 0 : i32
    %dma_start3A_429 = tpu.memref_slice %arg2[%dma_start3A_428, %mul3A_421] : memref<3x1000000xf32, #tpu.memory_space<any>> -> memref<3x128xf32, #tpu.memory_space<any>>
    tpu.enqueue_dma source(%dma_start3A_429 : memref<3x128xf32, #tpu.memory_space<any>>) target(%dma_start3A_427 : memref<3x128xf32, #tpu.memory_space<smem>>) target_semaphore(%arg5 : memref<!tpu.dma_semaphore, #tpu.memory_space<semaphore_mem>>)
    %jit3A_430 = arith.constant 128 : i32
    %div3A_431 = arith.divsi %min3A_134, %jit3A_430 : i32
    %sign3A_432 = arith.constant 0 : i32
    %sign3A_433 = arith.cmpi sgt, %min3A_134, %sign3A_432 : i32
    %sign3A_434 = arith.extui %sign3A_433 : i1 to i32
    %sign3A_435 = arith.constant 0 : i32
    %sign3A_436 = arith.cmpi slt, %min3A_134, %sign3A_435 : i32
    %sign3A_437 = arith.extui %sign3A_436 : i1 to i32
    %sign3A_438 = arith.subi %sign3A_434, %sign3A_437 : i32
    %sign3A_439 = arith.constant 0 : i32
    %sign3A_440 = arith.cmpi sgt, %jit3A_430, %sign3A_439 : i32
    %sign3A_441 = arith.extui %sign3A_440 : i1 to i32
    %sign3A_442 = arith.constant 0 : i32
    %sign3A_443 = arith.cmpi slt, %jit3A_430, %sign3A_442 : i32
    %sign3A_444 = arith.extui %sign3A_443 : i1 to i32
    %sign3A_445 = arith.subi %sign3A_441, %sign3A_444 : i32
    %ne3A_446 = arith.cmpi ne, %sign3A_438, %sign3A_445 : i32
    %rem3A_447 = arith.remsi %min3A_134, %jit3A_430 : i32
    %ne3A_448 = arith.constant 0 : i32
    %ne3A_449 = arith.cmpi ne, %rem3A_447, %ne3A_448 : i32
    %and3A_450 = arith.andi %ne3A_446, %ne3A_449 : i1
    %sub3A_451 = arith.constant 1 : i32
    %sub3A_452 = arith.subi %div3A_431, %sub3A_451 : i32
    %select_n3A_453 = arith.select %and3A_450, %sub3A_452, %div3A_431 : i32
    %mul3A_454 = arith.constant 128 : i32
    %mul3A_455 = arith.muli %select_n3A_453, %mul3A_454 : i32
    %sub3A_456 = arith.subi %min3A_134, %mul3A_455 : i32
    %dma_start3A_457 = arith.constant 5 : i32
    %dma_start3A_458 = arith.constant 0 : i32
    %dma_start3A_459 = arith.constant 0 : i32
    %dma_start3A_460 = tpu.memref_slice %arg6[%dma_start3A_457, %dma_start3A_458, %dma_start3A_459] : memref<12x3x128xf32, #tpu.memory_space<smem>> -> memref<1x3x128xf32, #tpu.memory_space<smem>>
    %dma_start3A_461 = tpu.memref_squeeze %dma_start3A_460 : memref<1x3x128xf32, #tpu.memory_space<smem>> -> memref<3x128xf32, #tpu.memory_space<smem>>
    %dma_start3A_462 = arith.constant 0 : i32
    %dma_start3A_463 = tpu.memref_slice %arg2[%dma_start3A_462, %mul3A_455] : memref<3x1000000xf32, #tpu.memory_space<any>> -> memref<3x128xf32, #tpu.memory_space<any>>
    tpu.enqueue_dma source(%dma_start3A_463 : memref<3x128xf32, #tpu.memory_space<any>>) target(%dma_start3A_461 : memref<3x128xf32, #tpu.memory_space<smem>>) target_semaphore(%arg5 : memref<!tpu.dma_semaphore, #tpu.memory_space<semaphore_mem>>)
    %jit3A_464 = arith.constant 128 : i32
    %div3A_465 = arith.divsi %min3A_157, %jit3A_464 : i32
    %sign3A_466 = arith.constant 0 : i32
    %sign3A_467 = arith.cmpi sgt, %min3A_157, %sign3A_466 : i32
    %sign3A_468 = arith.extui %sign3A_467 : i1 to i32
    %sign3A_469 = arith.constant 0 : i32
    %sign3A_470 = arith.cmpi slt, %min3A_157, %sign3A_469 : i32
    %sign3A_471 = arith.extui %sign3A_470 : i1 to i32
    %sign3A_472 = arith.subi %sign3A_468, %sign3A_471 : i32
    %sign3A_473 = arith.constant 0 : i32
    %sign3A_474 = arith.cmpi sgt, %jit3A_464, %sign3A_473 : i32
    %sign3A_475 = arith.extui %sign3A_474 : i1 to i32
    %sign3A_476 = arith.constant 0 : i32
    %sign3A_477 = arith.cmpi slt, %jit3A_464, %sign3A_476 : i32
    %sign3A_478 = arith.extui %sign3A_477 : i1 to i32
    %sign3A_479 = arith.subi %sign3A_475, %sign3A_478 : i32
    %ne3A_480 = arith.cmpi ne, %sign3A_472, %sign3A_479 : i32
    %rem3A_481 = arith.remsi %min3A_157, %jit3A_464 : i32
    %ne3A_482 = arith.constant 0 : i32
    %ne3A_483 = arith.cmpi ne, %rem3A_481, %ne3A_482 : i32
    %and3A_484 = arith.andi %ne3A_480, %ne3A_483 : i1
    %sub3A_485 = arith.constant 1 : i32
    %sub3A_486 = arith.subi %div3A_465, %sub3A_485 : i32
    %select_n3A_487 = arith.select %and3A_484, %sub3A_486, %div3A_465 : i32
    %mul3A_488 = arith.constant 128 : i32
    %mul3A_489 = arith.muli %select_n3A_487, %mul3A_488 : i32
    %sub3A_490 = arith.subi %min3A_157, %mul3A_489 : i32
    %dma_start3A_491 = arith.constant 6 : i32
    %dma_start3A_492 = arith.constant 0 : i32
    %dma_start3A_493 = arith.constant 0 : i32
    %dma_start3A_494 = tpu.memref_slice %arg6[%dma_start3A_491, %dma_start3A_492, %dma_start3A_493] : memref<12x3x128xf32, #tpu.memory_space<smem>> -> memref<1x3x128xf32, #tpu.memory_space<smem>>
    %dma_start3A_495 = tpu.memref_squeeze %dma_start3A_494 : memref<1x3x128xf32, #tpu.memory_space<smem>> -> memref<3x128xf32, #tpu.memory_space<smem>>
    %dma_start3A_496 = arith.constant 0 : i32
    %dma_start3A_497 = tpu.memref_slice %arg2[%dma_start3A_496, %mul3A_489] : memref<3x1000000xf32, #tpu.memory_space<any>> -> memref<3x128xf32, #tpu.memory_space<any>>
    tpu.enqueue_dma source(%dma_start3A_497 : memref<3x128xf32, #tpu.memory_space<any>>) target(%dma_start3A_495 : memref<3x128xf32, #tpu.memory_space<smem>>) target_semaphore(%arg5 : memref<!tpu.dma_semaphore, #tpu.memory_space<semaphore_mem>>)
    %jit3A_498 = arith.constant 128 : i32
    %div3A_499 = arith.divsi %min3A_180, %jit3A_498 : i32
    %sign3A_500 = arith.constant 0 : i32
    %sign3A_501 = arith.cmpi sgt, %min3A_180, %sign3A_500 : i32
    %sign3A_502 = arith.extui %sign3A_501 : i1 to i32
    %sign3A_503 = arith.constant 0 : i32
    %sign3A_504 = arith.cmpi slt, %min3A_180, %sign3A_503 : i32
    %sign3A_505 = arith.extui %sign3A_504 : i1 to i32
    %sign3A_506 = arith.subi %sign3A_502, %sign3A_505 : i32
    %sign3A_507 = arith.constant 0 : i32
    %sign3A_508 = arith.cmpi sgt, %jit3A_498, %sign3A_507 : i32
    %sign3A_509 = arith.extui %sign3A_508 : i1 to i32
    %sign3A_510 = arith.constant 0 : i32
    %sign3A_511 = arith.cmpi slt, %jit3A_498, %sign3A_510 : i32
    %sign3A_512 = arith.extui %sign3A_511 : i1 to i32
    %sign3A_513 = arith.subi %sign3A_509, %sign3A_512 : i32
    %ne3A_514 = arith.cmpi ne, %sign3A_506, %sign3A_513 : i32
    %rem3A_515 = arith.remsi %min3A_180, %jit3A_498 : i32
    %ne3A_516 = arith.constant 0 : i32
    %ne3A_517 = arith.cmpi ne, %rem3A_515, %ne3A_516 : i32
    %and3A_518 = arith.andi %ne3A_514, %ne3A_517 : i1
    %sub3A_519 = arith.constant 1 : i32
    %sub3A_520 = arith.subi %div3A_499, %sub3A_519 : i32
    %select_n3A_521 = arith.select %and3A_518, %sub3A_520, %div3A_499 : i32
    %mul3A_522 = arith.constant 128 : i32
    %mul3A_523 = arith.muli %select_n3A_521, %mul3A_522 : i32
    %sub3A_524 = arith.subi %min3A_180, %mul3A_523 : i32
    %dma_start3A_525 = arith.constant 7 : i32
    %dma_start3A_526 = arith.constant 0 : i32
    %dma_start3A_527 = arith.constant 0 : i32
    %dma_start3A_528 = tpu.memref_slice %arg6[%dma_start3A_525, %dma_start3A_526, %dma_start3A_527] : memref<12x3x128xf32, #tpu.memory_space<smem>> -> memref<1x3x128xf32, #tpu.memory_space<smem>>
    %dma_start3A_529 = tpu.memref_squeeze %dma_start3A_528 : memref<1x3x128xf32, #tpu.memory_space<smem>> -> memref<3x128xf32, #tpu.memory_space<smem>>
    %dma_start3A_530 = arith.constant 0 : i32
    %dma_start3A_531 = tpu.memref_slice %arg2[%dma_start3A_530, %mul3A_523] : memref<3x1000000xf32, #tpu.memory_space<any>> -> memref<3x128xf32, #tpu.memory_space<any>>
    tpu.enqueue_dma source(%dma_start3A_531 : memref<3x128xf32, #tpu.memory_space<any>>) target(%dma_start3A_529 : memref<3x128xf32, #tpu.memory_space<smem>>) target_semaphore(%arg5 : memref<!tpu.dma_semaphore, #tpu.memory_space<semaphore_mem>>)
    %jit3A_532 = arith.constant 128 : i32
    %div3A_533 = arith.divsi %min3A_203, %jit3A_532 : i32
    %sign3A_534 = arith.constant 0 : i32
    %sign3A_535 = arith.cmpi sgt, %min3A_203, %sign3A_534 : i32
    %sign3A_536 = arith.extui %sign3A_535 : i1 to i32
    %sign3A_537 = arith.constant 0 : i32
    %sign3A_538 = arith.cmpi slt, %min3A_203, %sign3A_537 : i32
    %sign3A_539 = arith.extui %sign3A_538 : i1 to i32
    %sign3A_540 = arith.subi %sign3A_536, %sign3A_539 : i32
    %sign3A_541 = arith.constant 0 : i32
    %sign3A_542 = arith.cmpi sgt, %jit3A_532, %sign3A_541 : i32
    %sign3A_543 = arith.extui %sign3A_542 : i1 to i32
    %sign3A_544 = arith.constant 0 : i32
    %sign3A_545 = arith.cmpi slt, %jit3A_532, %sign3A_544 : i32
    %sign3A_546 = arith.extui %sign3A_545 : i1 to i32
    %sign3A_547 = arith.subi %sign3A_543, %sign3A_546 : i32
    %ne3A_548 = arith.cmpi ne, %sign3A_540, %sign3A_547 : i32
    %rem3A_549 = arith.remsi %min3A_203, %jit3A_532 : i32
    %ne3A_550 = arith.constant 0 : i32
    %ne3A_551 = arith.cmpi ne, %rem3A_549, %ne3A_550 : i32
    %and3A_552 = arith.andi %ne3A_548, %ne3A_551 : i1
    %sub3A_553 = arith.constant 1 : i32
    %sub3A_554 = arith.subi %div3A_533, %sub3A_553 : i32
    %select_n3A_555 = arith.select %and3A_552, %sub3A_554, %div3A_533 : i32
    %mul3A_556 = arith.constant 128 : i32
    %mul3A_557 = arith.muli %select_n3A_555, %mul3A_556 : i32
    %sub3A_558 = arith.subi %min3A_203, %mul3A_557 : i32
    %dma_start3A_559 = arith.constant 8 : i32
    %dma_start3A_560 = arith.constant 0 : i32
    %dma_start3A_561 = arith.constant 0 : i32
    %dma_start3A_562 = tpu.memref_slice %arg6[%dma_start3A_559, %dma_start3A_560, %dma_start3A_561] : memref<12x3x128xf32, #tpu.memory_space<smem>> -> memref<1x3x128xf32, #tpu.memory_space<smem>>
    %dma_start3A_563 = tpu.memref_squeeze %dma_start3A_562 : memref<1x3x128xf32, #tpu.memory_space<smem>> -> memref<3x128xf32, #tpu.memory_space<smem>>
    %dma_start3A_564 = arith.constant 0 : i32
    %dma_start3A_565 = tpu.memref_slice %arg2[%dma_start3A_564, %mul3A_557] : memref<3x1000000xf32, #tpu.memory_space<any>> -> memref<3x128xf32, #tpu.memory_space<any>>
    tpu.enqueue_dma source(%dma_start3A_565 : memref<3x128xf32, #tpu.memory_space<any>>) target(%dma_start3A_563 : memref<3x128xf32, #tpu.memory_space<smem>>) target_semaphore(%arg5 : memref<!tpu.dma_semaphore, #tpu.memory_space<semaphore_mem>>)
    %jit3A_566 = arith.constant 128 : i32
    %div3A_567 = arith.divsi %min3A_226, %jit3A_566 : i32
    %sign3A_568 = arith.constant 0 : i32
    %sign3A_569 = arith.cmpi sgt, %min3A_226, %sign3A_568 : i32
    %sign3A_570 = arith.extui %sign3A_569 : i1 to i32
    %sign3A_571 = arith.constant 0 : i32
    %sign3A_572 = arith.cmpi slt, %min3A_226, %sign3A_571 : i32
    %sign3A_573 = arith.extui %sign3A_572 : i1 to i32
    %sign3A_574 = arith.subi %sign3A_570, %sign3A_573 : i32
    %sign3A_575 = arith.constant 0 : i32
    %sign3A_576 = arith.cmpi sgt, %jit3A_566, %sign3A_575 : i32
    %sign3A_577 = arith.extui %sign3A_576 : i1 to i32
    %sign3A_578 = arith.constant 0 : i32
    %sign3A_579 = arith.cmpi slt, %jit3A_566, %sign3A_578 : i32
    %sign3A_580 = arith.extui %sign3A_579 : i1 to i32
    %sign3A_581 = arith.subi %sign3A_577, %sign3A_580 : i32
    %ne3A_582 = arith.cmpi ne, %sign3A_574, %sign3A_581 : i32
    %rem3A_583 = arith.remsi %min3A_226, %jit3A_566 : i32
    %ne3A_584 = arith.constant 0 : i32
    %ne3A_585 = arith.cmpi ne, %rem3A_583, %ne3A_584 : i32
    %and3A_586 = arith.andi %ne3A_582, %ne3A_585 : i1
    %sub3A_587 = arith.constant 1 : i32
    %sub3A_588 = arith.subi %div3A_567, %sub3A_587 : i32
    %select_n3A_589 = arith.select %and3A_586, %sub3A_588, %div3A_567 : i32
    %mul3A_590 = arith.constant 128 : i32
    %mul3A_591 = arith.muli %select_n3A_589, %mul3A_590 : i32
    %sub3A_592 = arith.subi %min3A_226, %mul3A_591 : i32
    %dma_start3A_593 = arith.constant 9 : i32
    %dma_start3A_594 = arith.constant 0 : i32
    %dma_start3A_595 = arith.constant 0 : i32
    %dma_start3A_596 = tpu.memref_slice %arg6[%dma_start3A_593, %dma_start3A_594, %dma_start3A_595] : memref<12x3x128xf32, #tpu.memory_space<smem>> -> memref<1x3x128xf32, #tpu.memory_space<smem>>
    %dma_start3A_597 = tpu.memref_squeeze %dma_start3A_596 : memref<1x3x128xf32, #tpu.memory_space<smem>> -> memref<3x128xf32, #tpu.memory_space<smem>>
    %dma_start3A_598 = arith.constant 0 : i32
    %dma_start3A_599 = tpu.memref_slice %arg2[%dma_start3A_598, %mul3A_591] : memref<3x1000000xf32, #tpu.memory_space<any>> -> memref<3x128xf32, #tpu.memory_space<any>>
    tpu.enqueue_dma source(%dma_start3A_599 : memref<3x128xf32, #tpu.memory_space<any>>) target(%dma_start3A_597 : memref<3x128xf32, #tpu.memory_space<smem>>) target_semaphore(%arg5 : memref<!tpu.dma_semaphore, #tpu.memory_space<semaphore_mem>>)
    %jit3A_600 = arith.constant 128 : i32
    %div3A_601 = arith.divsi %min3A_249, %jit3A_600 : i32
    %sign3A_602 = arith.constant 0 : i32
    %sign3A_603 = arith.cmpi sgt, %min3A_249, %sign3A_602 : i32
    %sign3A_604 = arith.extui %sign3A_603 : i1 to i32
    %sign3A_605 = arith.constant 0 : i32
    %sign3A_606 = arith.cmpi slt, %min3A_249, %sign3A_605 : i32
    %sign3A_607 = arith.extui %sign3A_606 : i1 to i32
    %sign3A_608 = arith.subi %sign3A_604, %sign3A_607 : i32
    %sign3A_609 = arith.constant 0 : i32
    %sign3A_610 = arith.cmpi sgt, %jit3A_600, %sign3A_609 : i32
    %sign3A_611 = arith.extui %sign3A_610 : i1 to i32
    %sign3A_612 = arith.constant 0 : i32
    %sign3A_613 = arith.cmpi slt, %jit3A_600, %sign3A_612 : i32
    %sign3A_614 = arith.extui %sign3A_613 : i1 to i32
    %sign3A_615 = arith.subi %sign3A_611, %sign3A_614 : i32
    %ne3A_616 = arith.cmpi ne, %sign3A_608, %sign3A_615 : i32
    %rem3A_617 = arith.remsi %min3A_249, %jit3A_600 : i32
    %ne3A_618 = arith.constant 0 : i32
    %ne3A_619 = arith.cmpi ne, %rem3A_617, %ne3A_618 : i32
    %and3A_620 = arith.andi %ne3A_616, %ne3A_619 : i1
    %sub3A_621 = arith.constant 1 : i32
    %sub3A_622 = arith.subi %div3A_601, %sub3A_621 : i32
    %select_n3A_623 = arith.select %and3A_620, %sub3A_622, %div3A_601 : i32
    %mul3A_624 = arith.constant 128 : i32
    %mul3A_625 = arith.muli %select_n3A_623, %mul3A_624 : i32
    %sub3A_626 = arith.subi %min3A_249, %mul3A_625 : i32
    %dma_start3A_627 = arith.constant 10 : i32
    %dma_start3A_628 = arith.constant 0 : i32
    %dma_start3A_629 = arith.constant 0 : i32
    %dma_start3A_630 = tpu.memref_slice %arg6[%dma_start3A_627, %dma_start3A_628, %dma_start3A_629] : memref<12x3x128xf32, #tpu.memory_space<smem>> -> memref<1x3x128xf32, #tpu.memory_space<smem>>
    %dma_start3A_631 = tpu.memref_squeeze %dma_start3A_630 : memref<1x3x128xf32, #tpu.memory_space<smem>> -> memref<3x128xf32, #tpu.memory_space<smem>>
    %dma_start3A_632 = arith.constant 0 : i32
    %dma_start3A_633 = tpu.memref_slice %arg2[%dma_start3A_632, %mul3A_625] : memref<3x1000000xf32, #tpu.memory_space<any>> -> memref<3x128xf32, #tpu.memory_space<any>>
    tpu.enqueue_dma source(%dma_start3A_633 : memref<3x128xf32, #tpu.memory_space<any>>) target(%dma_start3A_631 : memref<3x128xf32, #tpu.memory_space<smem>>) target_semaphore(%arg5 : memref<!tpu.dma_semaphore, #tpu.memory_space<semaphore_mem>>)
    %jit3A_634 = arith.constant 128 : i32
    %div3A_635 = arith.divsi %min3A_266, %jit3A_634 : i32
    %sign3A_636 = arith.constant 0 : i32
    %sign3A_637 = arith.cmpi sgt, %min3A_266, %sign3A_636 : i32
    %sign3A_638 = arith.extui %sign3A_637 : i1 to i32
    %sign3A_639 = arith.constant 0 : i32
    %sign3A_640 = arith.cmpi slt, %min3A_266, %sign3A_639 : i32
    %sign3A_641 = arith.extui %sign3A_640 : i1 to i32
    %sign3A_642 = arith.subi %sign3A_638, %sign3A_641 : i32
    %sign3A_643 = arith.constant 0 : i32
    %sign3A_644 = arith.cmpi sgt, %jit3A_634, %sign3A_643 : i32
    %sign3A_645 = arith.extui %sign3A_644 : i1 to i32
    %sign3A_646 = arith.constant 0 : i32
    %sign3A_647 = arith.cmpi slt, %jit3A_634, %sign3A_646 : i32
    %sign3A_648 = arith.extui %sign3A_647 : i1 to i32
    %sign3A_649 = arith.subi %sign3A_645, %sign3A_648 : i32
    %ne3A_650 = arith.cmpi ne, %sign3A_642, %sign3A_649 : i32
    %rem3A_651 = arith.remsi %min3A_266, %jit3A_634 : i32
    %ne3A_652 = arith.constant 0 : i32
    %ne3A_653 = arith.cmpi ne, %rem3A_651, %ne3A_652 : i32
    %and3A_654 = arith.andi %ne3A_650, %ne3A_653 : i1
    %sub3A_655 = arith.constant 1 : i32
    %sub3A_656 = arith.subi %div3A_635, %sub3A_655 : i32
    %select_n3A_657 = arith.select %and3A_654, %sub3A_656, %div3A_635 : i32
    %mul3A_658 = arith.constant 128 : i32
    %mul3A_659 = arith.muli %select_n3A_657, %mul3A_658 : i32
    %sub3A_660 = arith.subi %min3A_266, %mul3A_659 : i32
    %dma_start3A_661 = arith.constant 11 : i32
    %dma_start3A_662 = arith.constant 0 : i32
    %dma_start3A_663 = arith.constant 0 : i32
    %dma_start3A_664 = tpu.memref_slice %arg6[%dma_start3A_661, %dma_start3A_662, %dma_start3A_663] : memref<12x3x128xf32, #tpu.memory_space<smem>> -> memref<1x3x128xf32, #tpu.memory_space<smem>>
    %dma_start3A_665 = tpu.memref_squeeze %dma_start3A_664 : memref<1x3x128xf32, #tpu.memory_space<smem>> -> memref<3x128xf32, #tpu.memory_space<smem>>
    %dma_start3A_666 = arith.constant 0 : i32
    %dma_start3A_667 = tpu.memref_slice %arg2[%dma_start3A_666, %mul3A_659] : memref<3x1000000xf32, #tpu.memory_space<any>> -> memref<3x128xf32, #tpu.memory_space<any>>
    tpu.enqueue_dma source(%dma_start3A_667 : memref<3x128xf32, #tpu.memory_space<any>>) target(%dma_start3A_665 : memref<3x128xf32, #tpu.memory_space<smem>>) target_semaphore(%arg5 : memref<!tpu.dma_semaphore, #tpu.memory_space<semaphore_mem>>)
    %dma_wait3A = arith.constant 0 : i32
    %dma_wait3A_668 = arith.constant 0 : i32
    %dma_wait3A_669 = arith.constant 0 : i32
    %dma_wait3A_670 = tpu.memref_slice %arg6[%dma_wait3A, %dma_wait3A_668, %dma_wait3A_669] : memref<12x3x128xf32, #tpu.memory_space<smem>> -> memref<1x3x128xf32, #tpu.memory_space<smem>>
    %dma_wait3A_671 = tpu.memref_squeeze %dma_wait3A_670 : memref<1x3x128xf32, #tpu.memory_space<smem>> -> memref<3x128xf32, #tpu.memory_space<smem>>
    %dma_wait3A_672 = arith.constant 0 : i32
    %dma_wait3A_673 = tpu.memref_slice %arg2[%dma_wait3A_672, %mul3A_286] : memref<3x1000000xf32, #tpu.memory_space<any>> -> memref<3x128xf32, #tpu.memory_space<any>>
    tpu.wait_dma2 semaphore(%arg5 : memref<!tpu.dma_semaphore, #tpu.memory_space<semaphore_mem>>) src(%dma_wait3A_673 : memref<3x128xf32, #tpu.memory_space<any>>) dst(%dma_wait3A_671 : memref<3x128xf32, #tpu.memory_space<smem>>)
    %dma_wait3A_674 = arith.constant 1 : i32
    %dma_wait3A_675 = arith.constant 0 : i32
    %dma_wait3A_676 = arith.constant 0 : i32
    %dma_wait3A_677 = tpu.memref_slice %arg6[%dma_wait3A_674, %dma_wait3A_675, %dma_wait3A_676] : memref<12x3x128xf32, #tpu.memory_space<smem>> -> memref<1x3x128xf32, #tpu.memory_space<smem>>
    %dma_wait3A_678 = tpu.memref_squeeze %dma_wait3A_677 : memref<1x3x128xf32, #tpu.memory_space<smem>> -> memref<3x128xf32, #tpu.memory_space<smem>>
    %dma_wait3A_679 = arith.constant 0 : i32
    %dma_wait3A_680 = tpu.memref_slice %arg2[%dma_wait3A_679, %mul3A_319] : memref<3x1000000xf32, #tpu.memory_space<any>> -> memref<3x128xf32, #tpu.memory_space<any>>
    tpu.wait_dma2 semaphore(%arg5 : memref<!tpu.dma_semaphore, #tpu.memory_space<semaphore_mem>>) src(%dma_wait3A_680 : memref<3x128xf32, #tpu.memory_space<any>>) dst(%dma_wait3A_678 : memref<3x128xf32, #tpu.memory_space<smem>>)
    %dma_wait3A_681 = arith.constant 2 : i32
    %dma_wait3A_682 = arith.constant 0 : i32
    %dma_wait3A_683 = arith.constant 0 : i32
    %dma_wait3A_684 = tpu.memref_slice %arg6[%dma_wait3A_681, %dma_wait3A_682, %dma_wait3A_683] : memref<12x3x128xf32, #tpu.memory_space<smem>> -> memref<1x3x128xf32, #tpu.memory_space<smem>>
    %dma_wait3A_685 = tpu.memref_squeeze %dma_wait3A_684 : memref<1x3x128xf32, #tpu.memory_space<smem>> -> memref<3x128xf32, #tpu.memory_space<smem>>
    %dma_wait3A_686 = arith.constant 0 : i32
    %dma_wait3A_687 = tpu.memref_slice %arg2[%dma_wait3A_686, %mul3A_353] : memref<3x1000000xf32, #tpu.memory_space<any>> -> memref<3x128xf32, #tpu.memory_space<any>>
    tpu.wait_dma2 semaphore(%arg5 : memref<!tpu.dma_semaphore, #tpu.memory_space<semaphore_mem>>) src(%dma_wait3A_687 : memref<3x128xf32, #tpu.memory_space<any>>) dst(%dma_wait3A_685 : memref<3x128xf32, #tpu.memory_space<smem>>)
    %dma_wait3A_688 = arith.constant 3 : i32
    %dma_wait3A_689 = arith.constant 0 : i32
    %dma_wait3A_690 = arith.constant 0 : i32
    %dma_wait3A_691 = tpu.memref_slice %arg6[%dma_wait3A_688, %dma_wait3A_689, %dma_wait3A_690] : memref<12x3x128xf32, #tpu.memory_space<smem>> -> memref<1x3x128xf32, #tpu.memory_space<smem>>
    %dma_wait3A_692 = tpu.memref_squeeze %dma_wait3A_691 : memref<1x3x128xf32, #tpu.memory_space<smem>> -> memref<3x128xf32, #tpu.memory_space<smem>>
    %dma_wait3A_693 = arith.constant 0 : i32
    %dma_wait3A_694 = tpu.memref_slice %arg2[%dma_wait3A_693, %mul3A_387] : memref<3x1000000xf32, #tpu.memory_space<any>> -> memref<3x128xf32, #tpu.memory_space<any>>
    tpu.wait_dma2 semaphore(%arg5 : memref<!tpu.dma_semaphore, #tpu.memory_space<semaphore_mem>>) src(%dma_wait3A_694 : memref<3x128xf32, #tpu.memory_space<any>>) dst(%dma_wait3A_692 : memref<3x128xf32, #tpu.memory_space<smem>>)
    %dma_wait3A_695 = arith.constant 4 : i32
    %dma_wait3A_696 = arith.constant 0 : i32
    %dma_wait3A_697 = arith.constant 0 : i32
    %dma_wait3A_698 = tpu.memref_slice %arg6[%dma_wait3A_695, %dma_wait3A_696, %dma_wait3A_697] : memref<12x3x128xf32, #tpu.memory_space<smem>> -> memref<1x3x128xf32, #tpu.memory_space<smem>>
    %dma_wait3A_699 = tpu.memref_squeeze %dma_wait3A_698 : memref<1x3x128xf32, #tpu.memory_space<smem>> -> memref<3x128xf32, #tpu.memory_space<smem>>
    %dma_wait3A_700 = arith.constant 0 : i32
    %dma_wait3A_701 = tpu.memref_slice %arg2[%dma_wait3A_700, %mul3A_421] : memref<3x1000000xf32, #tpu.memory_space<any>> -> memref<3x128xf32, #tpu.memory_space<any>>
    tpu.wait_dma2 semaphore(%arg5 : memref<!tpu.dma_semaphore, #tpu.memory_space<semaphore_mem>>) src(%dma_wait3A_701 : memref<3x128xf32, #tpu.memory_space<any>>) dst(%dma_wait3A_699 : memref<3x128xf32, #tpu.memory_space<smem>>)
    %dma_wait3A_702 = arith.constant 5 : i32
    %dma_wait3A_703 = arith.constant 0 : i32
    %dma_wait3A_704 = arith.constant 0 : i32
    %dma_wait3A_705 = tpu.memref_slice %arg6[%dma_wait3A_702, %dma_wait3A_703, %dma_wait3A_704] : memref<12x3x128xf32, #tpu.memory_space<smem>> -> memref<1x3x128xf32, #tpu.memory_space<smem>>
    %dma_wait3A_706 = tpu.memref_squeeze %dma_wait3A_705 : memref<1x3x128xf32, #tpu.memory_space<smem>> -> memref<3x128xf32, #tpu.memory_space<smem>>
    %dma_wait3A_707 = arith.constant 0 : i32
    %dma_wait3A_708 = tpu.memref_slice %arg2[%dma_wait3A_707, %mul3A_455] : memref<3x1000000xf32, #tpu.memory_space<any>> -> memref<3x128xf32, #tpu.memory_space<any>>
    tpu.wait_dma2 semaphore(%arg5 : memref<!tpu.dma_semaphore, #tpu.memory_space<semaphore_mem>>) src(%dma_wait3A_708 : memref<3x128xf32, #tpu.memory_space<any>>) dst(%dma_wait3A_706 : memref<3x128xf32, #tpu.memory_space<smem>>)
    %dma_wait3A_709 = arith.constant 6 : i32
    %dma_wait3A_710 = arith.constant 0 : i32
    %dma_wait3A_711 = arith.constant 0 : i32
    %dma_wait3A_712 = tpu.memref_slice %arg6[%dma_wait3A_709, %dma_wait3A_710, %dma_wait3A_711] : memref<12x3x128xf32, #tpu.memory_space<smem>> -> memref<1x3x128xf32, #tpu.memory_space<smem>>
    %dma_wait3A_713 = tpu.memref_squeeze %dma_wait3A_712 : memref<1x3x128xf32, #tpu.memory_space<smem>> -> memref<3x128xf32, #tpu.memory_space<smem>>
    %dma_wait3A_714 = arith.constant 0 : i32
    %dma_wait3A_715 = tpu.memref_slice %arg2[%dma_wait3A_714, %mul3A_489] : memref<3x1000000xf32, #tpu.memory_space<any>> -> memref<3x128xf32, #tpu.memory_space<any>>
    tpu.wait_dma2 semaphore(%arg5 : memref<!tpu.dma_semaphore, #tpu.memory_space<semaphore_mem>>) src(%dma_wait3A_715 : memref<3x128xf32, #tpu.memory_space<any>>) dst(%dma_wait3A_713 : memref<3x128xf32, #tpu.memory_space<smem>>)
    %dma_wait3A_716 = arith.constant 7 : i32
    %dma_wait3A_717 = arith.constant 0 : i32
    %dma_wait3A_718 = arith.constant 0 : i32
    %dma_wait3A_719 = tpu.memref_slice %arg6[%dma_wait3A_716, %dma_wait3A_717, %dma_wait3A_718] : memref<12x3x128xf32, #tpu.memory_space<smem>> -> memref<1x3x128xf32, #tpu.memory_space<smem>>
    %dma_wait3A_720 = tpu.memref_squeeze %dma_wait3A_719 : memref<1x3x128xf32, #tpu.memory_space<smem>> -> memref<3x128xf32, #tpu.memory_space<smem>>
    %dma_wait3A_721 = arith.constant 0 : i32
    %dma_wait3A_722 = tpu.memref_slice %arg2[%dma_wait3A_721, %mul3A_523] : memref<3x1000000xf32, #tpu.memory_space<any>> -> memref<3x128xf32, #tpu.memory_space<any>>
    tpu.wait_dma2 semaphore(%arg5 : memref<!tpu.dma_semaphore, #tpu.memory_space<semaphore_mem>>) src(%dma_wait3A_722 : memref<3x128xf32, #tpu.memory_space<any>>) dst(%dma_wait3A_720 : memref<3x128xf32, #tpu.memory_space<smem>>)
    %dma_wait3A_723 = arith.constant 8 : i32
    %dma_wait3A_724 = arith.constant 0 : i32
    %dma_wait3A_725 = arith.constant 0 : i32
    %dma_wait3A_726 = tpu.memref_slice %arg6[%dma_wait3A_723, %dma_wait3A_724, %dma_wait3A_725] : memref<12x3x128xf32, #tpu.memory_space<smem>> -> memref<1x3x128xf32, #tpu.memory_space<smem>>
    %dma_wait3A_727 = tpu.memref_squeeze %dma_wait3A_726 : memref<1x3x128xf32, #tpu.memory_space<smem>> -> memref<3x128xf32, #tpu.memory_space<smem>>
    %dma_wait3A_728 = arith.constant 0 : i32
    %dma_wait3A_729 = tpu.memref_slice %arg2[%dma_wait3A_728, %mul3A_557] : memref<3x1000000xf32, #tpu.memory_space<any>> -> memref<3x128xf32, #tpu.memory_space<any>>
    tpu.wait_dma2 semaphore(%arg5 : memref<!tpu.dma_semaphore, #tpu.memory_space<semaphore_mem>>) src(%dma_wait3A_729 : memref<3x128xf32, #tpu.memory_space<any>>) dst(%dma_wait3A_727 : memref<3x128xf32, #tpu.memory_space<smem>>)
    %dma_wait3A_730 = arith.constant 9 : i32
    %dma_wait3A_731 = arith.constant 0 : i32
    %dma_wait3A_732 = arith.constant 0 : i32
    %dma_wait3A_733 = tpu.memref_slice %arg6[%dma_wait3A_730, %dma_wait3A_731, %dma_wait3A_732] : memref<12x3x128xf32, #tpu.memory_space<smem>> -> memref<1x3x128xf32, #tpu.memory_space<smem>>
    %dma_wait3A_734 = tpu.memref_squeeze %dma_wait3A_733 : memref<1x3x128xf32, #tpu.memory_space<smem>> -> memref<3x128xf32, #tpu.memory_space<smem>>
    %dma_wait3A_735 = arith.constant 0 : i32
    %dma_wait3A_736 = tpu.memref_slice %arg2[%dma_wait3A_735, %mul3A_591] : memref<3x1000000xf32, #tpu.memory_space<any>> -> memref<3x128xf32, #tpu.memory_space<any>>
    tpu.wait_dma2 semaphore(%arg5 : memref<!tpu.dma_semaphore, #tpu.memory_space<semaphore_mem>>) src(%dma_wait3A_736 : memref<3x128xf32, #tpu.memory_space<any>>) dst(%dma_wait3A_734 : memref<3x128xf32, #tpu.memory_space<smem>>)
    %dma_wait3A_737 = arith.constant 10 : i32
    %dma_wait3A_738 = arith.constant 0 : i32
    %dma_wait3A_739 = arith.constant 0 : i32
    %dma_wait3A_740 = tpu.memref_slice %arg6[%dma_wait3A_737, %dma_wait3A_738, %dma_wait3A_739] : memref<12x3x128xf32, #tpu.memory_space<smem>> -> memref<1x3x128xf32, #tpu.memory_space<smem>>
    %dma_wait3A_741 = tpu.memref_squeeze %dma_wait3A_740 : memref<1x3x128xf32, #tpu.memory_space<smem>> -> memref<3x128xf32, #tpu.memory_space<smem>>
    %dma_wait3A_742 = arith.constant 0 : i32
    %dma_wait3A_743 = tpu.memref_slice %arg2[%dma_wait3A_742, %mul3A_625] : memref<3x1000000xf32, #tpu.memory_space<any>> -> memref<3x128xf32, #tpu.memory_space<any>>
    tpu.wait_dma2 semaphore(%arg5 : memref<!tpu.dma_semaphore, #tpu.memory_space<semaphore_mem>>) src(%dma_wait3A_743 : memref<3x128xf32, #tpu.memory_space<any>>) dst(%dma_wait3A_741 : memref<3x128xf32, #tpu.memory_space<smem>>)
    %dma_wait3A_744 = arith.constant 11 : i32
    %dma_wait3A_745 = arith.constant 0 : i32
    %dma_wait3A_746 = arith.constant 0 : i32
    %dma_wait3A_747 = tpu.memref_slice %arg6[%dma_wait3A_744, %dma_wait3A_745, %dma_wait3A_746] : memref<12x3x128xf32, #tpu.memory_space<smem>> -> memref<1x3x128xf32, #tpu.memory_space<smem>>
    %dma_wait3A_748 = tpu.memref_squeeze %dma_wait3A_747 : memref<1x3x128xf32, #tpu.memory_space<smem>> -> memref<3x128xf32, #tpu.memory_space<smem>>
    %dma_wait3A_749 = arith.constant 0 : i32
    %dma_wait3A_750 = tpu.memref_slice %arg2[%dma_wait3A_749, %mul3A_659] : memref<3x1000000xf32, #tpu.memory_space<any>> -> memref<3x128xf32, #tpu.memory_space<any>>
    tpu.wait_dma2 semaphore(%arg5 : memref<!tpu.dma_semaphore, #tpu.memory_space<semaphore_mem>>) src(%dma_wait3A_750 : memref<3x128xf32, #tpu.memory_space<any>>) dst(%dma_wait3A_748 : memref<3x128xf32, #tpu.memory_space<smem>>)
    %iota3A = tpu.iota {dimensions = array<i32: 0>} : vector<16x128xi32>
    %iota3A_751 = tpu.iota {dimensions = array<i32: 1>} : vector<16x128xi32>
    %broadcast_in_dim3A_752 = arith.constant 0.000000e+00 : f32
    %broadcast_in_dim3A_753 = vector.broadcast %broadcast_in_dim3A_752 : f32 to vector<16x128xf32>
    %get3A_754 = arith.constant 0 : index
    %get3A_755 = arith.constant 0 : index
    %get3A_756 = arith.index_cast %sub3A_287 : i32 to index
    %get3A_757 = memref.load %arg6[%get3A_754, %get3A_755, %get3A_756] : memref<12x3x128xf32, #tpu.memory_space<smem>>
    %eq3A_758 = arith.constant 0 : i32
    %eq3A_759 = vector.broadcast %eq3A_758 : i32 to vector<16x128xi32>
    %eq3A_760 = arith.cmpi eq, %iota3A, %eq3A_759 : vector<16x128xi32>
    %broadcast_in_dim3A_761 = vector.broadcast %get3A_757 : f32 to vector<16x128xf32>
    %select_n3A_762 = arith.select %eq3A_760, %broadcast_in_dim3A_761, %broadcast_in_dim3A_753 : vector<16x128xi1>, vector<16x128xf32>
    %eq3A_763 = arith.constant 0 : i32
    %eq3A_764 = vector.broadcast %eq3A_763 : i32 to vector<16x128xi32>
    %eq3A_765 = arith.cmpi eq, %iota3A_751, %eq3A_764 : vector<16x128xi32>
    %broadcast_in_dim3A_766 = vector.broadcast %get3A_757 : f32 to vector<16x128xf32>
    %select_n3A_767 = arith.select %eq3A_765, %broadcast_in_dim3A_766, %broadcast_in_dim3A_753 : vector<16x128xi1>, vector<16x128xf32>
    %get3A_768 = arith.constant 0 : index
    %get3A_769 = arith.constant 1 : index
    %get3A_770 = arith.index_cast %sub3A_287 : i32 to index
    %get3A_771 = memref.load %arg6[%get3A_768, %get3A_769, %get3A_770] : memref<12x3x128xf32, #tpu.memory_space<smem>>
    %eq3A_772 = arith.constant 0 : i32
    %eq3A_773 = vector.broadcast %eq3A_772 : i32 to vector<16x128xi32>
    %eq3A_774 = arith.cmpi eq, %iota3A, %eq3A_773 : vector<16x128xi32>
    %broadcast_in_dim3A_775 = vector.broadcast %get3A_771 : f32 to vector<16x128xf32>
    %select_n3A_776 = arith.select %eq3A_774, %broadcast_in_dim3A_775, %broadcast_in_dim3A_753 : vector<16x128xi1>, vector<16x128xf32>
    %eq3A_777 = arith.constant 0 : i32
    %eq3A_778 = vector.broadcast %eq3A_777 : i32 to vector<16x128xi32>
    %eq3A_779 = arith.cmpi eq, %iota3A_751, %eq3A_778 : vector<16x128xi32>
    %broadcast_in_dim3A_780 = vector.broadcast %get3A_771 : f32 to vector<16x128xf32>
    %select_n3A_781 = arith.select %eq3A_779, %broadcast_in_dim3A_780, %broadcast_in_dim3A_753 : vector<16x128xi1>, vector<16x128xf32>
    %get3A_782 = arith.constant 0 : index
    %get3A_783 = arith.constant 2 : index
    %get3A_784 = arith.index_cast %sub3A_287 : i32 to index
    %get3A_785 = memref.load %arg6[%get3A_782, %get3A_783, %get3A_784] : memref<12x3x128xf32, #tpu.memory_space<smem>>
    %eq3A_786 = arith.constant 0 : i32
    %eq3A_787 = vector.broadcast %eq3A_786 : i32 to vector<16x128xi32>
    %eq3A_788 = arith.cmpi eq, %iota3A, %eq3A_787 : vector<16x128xi32>
    %broadcast_in_dim3A_789 = vector.broadcast %get3A_785 : f32 to vector<16x128xf32>
    %select_n3A_790 = arith.select %eq3A_788, %broadcast_in_dim3A_789, %broadcast_in_dim3A_753 : vector<16x128xi1>, vector<16x128xf32>
    %eq3A_791 = arith.constant 0 : i32
    %eq3A_792 = vector.broadcast %eq3A_791 : i32 to vector<16x128xi32>
    %eq3A_793 = arith.cmpi eq, %iota3A_751, %eq3A_792 : vector<16x128xi32>
    %broadcast_in_dim3A_794 = vector.broadcast %get3A_785 : f32 to vector<16x128xf32>
    %select_n3A_795 = arith.select %eq3A_793, %broadcast_in_dim3A_794, %broadcast_in_dim3A_753 : vector<16x128xi1>, vector<16x128xf32>
    %get3A_796 = arith.constant 1 : index
    %get3A_797 = arith.constant 0 : index
    %get3A_798 = arith.index_cast %sub3A_320 : i32 to index
    %get3A_799 = memref.load %arg6[%get3A_796, %get3A_797, %get3A_798] : memref<12x3x128xf32, #tpu.memory_space<smem>>
    %eq3A_800 = arith.constant 1 : i32
    %eq3A_801 = vector.broadcast %eq3A_800 : i32 to vector<16x128xi32>
    %eq3A_802 = arith.cmpi eq, %iota3A, %eq3A_801 : vector<16x128xi32>
    %broadcast_in_dim3A_803 = vector.broadcast %get3A_799 : f32 to vector<16x128xf32>
    %select_n3A_804 = arith.select %eq3A_802, %broadcast_in_dim3A_803, %select_n3A_762 : vector<16x128xi1>, vector<16x128xf32>
    %eq3A_805 = arith.constant 1 : i32
    %eq3A_806 = vector.broadcast %eq3A_805 : i32 to vector<16x128xi32>
    %eq3A_807 = arith.cmpi eq, %iota3A_751, %eq3A_806 : vector<16x128xi32>
    %broadcast_in_dim3A_808 = vector.broadcast %get3A_799 : f32 to vector<16x128xf32>
    %select_n3A_809 = arith.select %eq3A_807, %broadcast_in_dim3A_808, %select_n3A_767 : vector<16x128xi1>, vector<16x128xf32>
    %get3A_810 = arith.constant 1 : index
    %get3A_811 = arith.constant 1 : index
    %get3A_812 = arith.index_cast %sub3A_320 : i32 to index
    %get3A_813 = memref.load %arg6[%get3A_810, %get3A_811, %get3A_812] : memref<12x3x128xf32, #tpu.memory_space<smem>>
    %eq3A_814 = arith.constant 1 : i32
    %eq3A_815 = vector.broadcast %eq3A_814 : i32 to vector<16x128xi32>
    %eq3A_816 = arith.cmpi eq, %iota3A, %eq3A_815 : vector<16x128xi32>
    %broadcast_in_dim3A_817 = vector.broadcast %get3A_813 : f32 to vector<16x128xf32>
    %select_n3A_818 = arith.select %eq3A_816, %broadcast_in_dim3A_817, %select_n3A_776 : vector<16x128xi1>, vector<16x128xf32>
    %eq3A_819 = arith.constant 1 : i32
    %eq3A_820 = vector.broadcast %eq3A_819 : i32 to vector<16x128xi32>
    %eq3A_821 = arith.cmpi eq, %iota3A_751, %eq3A_820 : vector<16x128xi32>
    %broadcast_in_dim3A_822 = vector.broadcast %get3A_813 : f32 to vector<16x128xf32>
    %select_n3A_823 = arith.select %eq3A_821, %broadcast_in_dim3A_822, %select_n3A_781 : vector<16x128xi1>, vector<16x128xf32>
    %get3A_824 = arith.constant 1 : index
    %get3A_825 = arith.constant 2 : index
    %get3A_826 = arith.index_cast %sub3A_320 : i32 to index
    %get3A_827 = memref.load %arg6[%get3A_824, %get3A_825, %get3A_826] : memref<12x3x128xf32, #tpu.memory_space<smem>>
    %eq3A_828 = arith.constant 1 : i32
    %eq3A_829 = vector.broadcast %eq3A_828 : i32 to vector<16x128xi32>
    %eq3A_830 = arith.cmpi eq, %iota3A, %eq3A_829 : vector<16x128xi32>
    %broadcast_in_dim3A_831 = vector.broadcast %get3A_827 : f32 to vector<16x128xf32>
    %select_n3A_832 = arith.select %eq3A_830, %broadcast_in_dim3A_831, %select_n3A_790 : vector<16x128xi1>, vector<16x128xf32>
    %eq3A_833 = arith.constant 1 : i32
    %eq3A_834 = vector.broadcast %eq3A_833 : i32 to vector<16x128xi32>
    %eq3A_835 = arith.cmpi eq, %iota3A_751, %eq3A_834 : vector<16x128xi32>
    %broadcast_in_dim3A_836 = vector.broadcast %get3A_827 : f32 to vector<16x128xf32>
    %select_n3A_837 = arith.select %eq3A_835, %broadcast_in_dim3A_836, %select_n3A_795 : vector<16x128xi1>, vector<16x128xf32>
    %get3A_838 = arith.constant 2 : index
    %get3A_839 = arith.constant 0 : index
    %get3A_840 = arith.index_cast %sub3A_354 : i32 to index
    %get3A_841 = memref.load %arg6[%get3A_838, %get3A_839, %get3A_840] : memref<12x3x128xf32, #tpu.memory_space<smem>>
    %eq3A_842 = arith.constant 2 : i32
    %eq3A_843 = vector.broadcast %eq3A_842 : i32 to vector<16x128xi32>
    %eq3A_844 = arith.cmpi eq, %iota3A, %eq3A_843 : vector<16x128xi32>
    %broadcast_in_dim3A_845 = vector.broadcast %get3A_841 : f32 to vector<16x128xf32>
    %select_n3A_846 = arith.select %eq3A_844, %broadcast_in_dim3A_845, %select_n3A_804 : vector<16x128xi1>, vector<16x128xf32>
    %eq3A_847 = arith.constant 2 : i32
    %eq3A_848 = vector.broadcast %eq3A_847 : i32 to vector<16x128xi32>
    %eq3A_849 = arith.cmpi eq, %iota3A_751, %eq3A_848 : vector<16x128xi32>
    %broadcast_in_dim3A_850 = vector.broadcast %get3A_841 : f32 to vector<16x128xf32>
    %select_n3A_851 = arith.select %eq3A_849, %broadcast_in_dim3A_850, %select_n3A_809 : vector<16x128xi1>, vector<16x128xf32>
    %get3A_852 = arith.constant 2 : index
    %get3A_853 = arith.constant 1 : index
    %get3A_854 = arith.index_cast %sub3A_354 : i32 to index
    %get3A_855 = memref.load %arg6[%get3A_852, %get3A_853, %get3A_854] : memref<12x3x128xf32, #tpu.memory_space<smem>>
    %eq3A_856 = arith.constant 2 : i32
    %eq3A_857 = vector.broadcast %eq3A_856 : i32 to vector<16x128xi32>
    %eq3A_858 = arith.cmpi eq, %iota3A, %eq3A_857 : vector<16x128xi32>
    %broadcast_in_dim3A_859 = vector.broadcast %get3A_855 : f32 to vector<16x128xf32>
    %select_n3A_860 = arith.select %eq3A_858, %broadcast_in_dim3A_859, %select_n3A_818 : vector<16x128xi1>, vector<16x128xf32>
    %eq3A_861 = arith.constant 2 : i32
    %eq3A_862 = vector.broadcast %eq3A_861 : i32 to vector<16x128xi32>
    %eq3A_863 = arith.cmpi eq, %iota3A_751, %eq3A_862 : vector<16x128xi32>
    %broadcast_in_dim3A_864 = vector.broadcast %get3A_855 : f32 to vector<16x128xf32>
    %select_n3A_865 = arith.select %eq3A_863, %broadcast_in_dim3A_864, %select_n3A_823 : vector<16x128xi1>, vector<16x128xf32>
    %get3A_866 = arith.constant 2 : index
    %get3A_867 = arith.constant 2 : index
    %get3A_868 = arith.index_cast %sub3A_354 : i32 to index
    %get3A_869 = memref.load %arg6[%get3A_866, %get3A_867, %get3A_868] : memref<12x3x128xf32, #tpu.memory_space<smem>>
    %eq3A_870 = arith.constant 2 : i32
    %eq3A_871 = vector.broadcast %eq3A_870 : i32 to vector<16x128xi32>
    %eq3A_872 = arith.cmpi eq, %iota3A, %eq3A_871 : vector<16x128xi32>
    %broadcast_in_dim3A_873 = vector.broadcast %get3A_869 : f32 to vector<16x128xf32>
    %select_n3A_874 = arith.select %eq3A_872, %broadcast_in_dim3A_873, %select_n3A_832 : vector<16x128xi1>, vector<16x128xf32>
    %eq3A_875 = arith.constant 2 : i32
    %eq3A_876 = vector.broadcast %eq3A_875 : i32 to vector<16x128xi32>
    %eq3A_877 = arith.cmpi eq, %iota3A_751, %eq3A_876 : vector<16x128xi32>
    %broadcast_in_dim3A_878 = vector.broadcast %get3A_869 : f32 to vector<16x128xf32>
    %select_n3A_879 = arith.select %eq3A_877, %broadcast_in_dim3A_878, %select_n3A_837 : vector<16x128xi1>, vector<16x128xf32>
    %get3A_880 = arith.constant 3 : index
    %get3A_881 = arith.constant 0 : index
    %get3A_882 = arith.index_cast %sub3A_388 : i32 to index
    %get3A_883 = memref.load %arg6[%get3A_880, %get3A_881, %get3A_882] : memref<12x3x128xf32, #tpu.memory_space<smem>>
    %eq3A_884 = arith.constant 3 : i32
    %eq3A_885 = vector.broadcast %eq3A_884 : i32 to vector<16x128xi32>
    %eq3A_886 = arith.cmpi eq, %iota3A, %eq3A_885 : vector<16x128xi32>
    %broadcast_in_dim3A_887 = vector.broadcast %get3A_883 : f32 to vector<16x128xf32>
    %select_n3A_888 = arith.select %eq3A_886, %broadcast_in_dim3A_887, %select_n3A_846 : vector<16x128xi1>, vector<16x128xf32>
    %eq3A_889 = arith.constant 3 : i32
    %eq3A_890 = vector.broadcast %eq3A_889 : i32 to vector<16x128xi32>
    %eq3A_891 = arith.cmpi eq, %iota3A_751, %eq3A_890 : vector<16x128xi32>
    %broadcast_in_dim3A_892 = vector.broadcast %get3A_883 : f32 to vector<16x128xf32>
    %select_n3A_893 = arith.select %eq3A_891, %broadcast_in_dim3A_892, %select_n3A_851 : vector<16x128xi1>, vector<16x128xf32>
    %get3A_894 = arith.constant 3 : index
    %get3A_895 = arith.constant 1 : index
    %get3A_896 = arith.index_cast %sub3A_388 : i32 to index
    %get3A_897 = memref.load %arg6[%get3A_894, %get3A_895, %get3A_896] : memref<12x3x128xf32, #tpu.memory_space<smem>>
    %eq3A_898 = arith.constant 3 : i32
    %eq3A_899 = vector.broadcast %eq3A_898 : i32 to vector<16x128xi32>
    %eq3A_900 = arith.cmpi eq, %iota3A, %eq3A_899 : vector<16x128xi32>
    %broadcast_in_dim3A_901 = vector.broadcast %get3A_897 : f32 to vector<16x128xf32>
    %select_n3A_902 = arith.select %eq3A_900, %broadcast_in_dim3A_901, %select_n3A_860 : vector<16x128xi1>, vector<16x128xf32>
    %eq3A_903 = arith.constant 3 : i32
    %eq3A_904 = vector.broadcast %eq3A_903 : i32 to vector<16x128xi32>
    %eq3A_905 = arith.cmpi eq, %iota3A_751, %eq3A_904 : vector<16x128xi32>
    %broadcast_in_dim3A_906 = vector.broadcast %get3A_897 : f32 to vector<16x128xf32>
    %select_n3A_907 = arith.select %eq3A_905, %broadcast_in_dim3A_906, %select_n3A_865 : vector<16x128xi1>, vector<16x128xf32>
    %get3A_908 = arith.constant 3 : index
    %get3A_909 = arith.constant 2 : index
    %get3A_910 = arith.index_cast %sub3A_388 : i32 to index
    %get3A_911 = memref.load %arg6[%get3A_908, %get3A_909, %get3A_910] : memref<12x3x128xf32, #tpu.memory_space<smem>>
    %eq3A_912 = arith.constant 3 : i32
    %eq3A_913 = vector.broadcast %eq3A_912 : i32 to vector<16x128xi32>
    %eq3A_914 = arith.cmpi eq, %iota3A, %eq3A_913 : vector<16x128xi32>
    %broadcast_in_dim3A_915 = vector.broadcast %get3A_911 : f32 to vector<16x128xf32>
    %select_n3A_916 = arith.select %eq3A_914, %broadcast_in_dim3A_915, %select_n3A_874 : vector<16x128xi1>, vector<16x128xf32>
    %eq3A_917 = arith.constant 3 : i32
    %eq3A_918 = vector.broadcast %eq3A_917 : i32 to vector<16x128xi32>
    %eq3A_919 = arith.cmpi eq, %iota3A_751, %eq3A_918 : vector<16x128xi32>
    %broadcast_in_dim3A_920 = vector.broadcast %get3A_911 : f32 to vector<16x128xf32>
    %select_n3A_921 = arith.select %eq3A_919, %broadcast_in_dim3A_920, %select_n3A_879 : vector<16x128xi1>, vector<16x128xf32>
    %get3A_922 = arith.constant 4 : index
    %get3A_923 = arith.constant 0 : index
    %get3A_924 = arith.index_cast %sub3A_422 : i32 to index
    %get3A_925 = memref.load %arg6[%get3A_922, %get3A_923, %get3A_924] : memref<12x3x128xf32, #tpu.memory_space<smem>>
    %eq3A_926 = arith.constant 4 : i32
    %eq3A_927 = vector.broadcast %eq3A_926 : i32 to vector<16x128xi32>
    %eq3A_928 = arith.cmpi eq, %iota3A, %eq3A_927 : vector<16x128xi32>
    %broadcast_in_dim3A_929 = vector.broadcast %get3A_925 : f32 to vector<16x128xf32>
    %select_n3A_930 = arith.select %eq3A_928, %broadcast_in_dim3A_929, %select_n3A_888 : vector<16x128xi1>, vector<16x128xf32>
    %eq3A_931 = arith.constant 4 : i32
    %eq3A_932 = vector.broadcast %eq3A_931 : i32 to vector<16x128xi32>
    %eq3A_933 = arith.cmpi eq, %iota3A_751, %eq3A_932 : vector<16x128xi32>
    %broadcast_in_dim3A_934 = vector.broadcast %get3A_925 : f32 to vector<16x128xf32>
    %select_n3A_935 = arith.select %eq3A_933, %broadcast_in_dim3A_934, %select_n3A_893 : vector<16x128xi1>, vector<16x128xf32>
    %get3A_936 = arith.constant 4 : index
    %get3A_937 = arith.constant 1 : index
    %get3A_938 = arith.index_cast %sub3A_422 : i32 to index
    %get3A_939 = memref.load %arg6[%get3A_936, %get3A_937, %get3A_938] : memref<12x3x128xf32, #tpu.memory_space<smem>>
    %eq3A_940 = arith.constant 4 : i32
    %eq3A_941 = vector.broadcast %eq3A_940 : i32 to vector<16x128xi32>
    %eq3A_942 = arith.cmpi eq, %iota3A, %eq3A_941 : vector<16x128xi32>
    %broadcast_in_dim3A_943 = vector.broadcast %get3A_939 : f32 to vector<16x128xf32>
    %select_n3A_944 = arith.select %eq3A_942, %broadcast_in_dim3A_943, %select_n3A_902 : vector<16x128xi1>, vector<16x128xf32>
    %eq3A_945 = arith.constant 4 : i32
    %eq3A_946 = vector.broadcast %eq3A_945 : i32 to vector<16x128xi32>
    %eq3A_947 = arith.cmpi eq, %iota3A_751, %eq3A_946 : vector<16x128xi32>
    %broadcast_in_dim3A_948 = vector.broadcast %get3A_939 : f32 to vector<16x128xf32>
    %select_n3A_949 = arith.select %eq3A_947, %broadcast_in_dim3A_948, %select_n3A_907 : vector<16x128xi1>, vector<16x128xf32>
    %get3A_950 = arith.constant 4 : index
    %get3A_951 = arith.constant 2 : index
    %get3A_952 = arith.index_cast %sub3A_422 : i32 to index
    %get3A_953 = memref.load %arg6[%get3A_950, %get3A_951, %get3A_952] : memref<12x3x128xf32, #tpu.memory_space<smem>>
    %eq3A_954 = arith.constant 4 : i32
    %eq3A_955 = vector.broadcast %eq3A_954 : i32 to vector<16x128xi32>
    %eq3A_956 = arith.cmpi eq, %iota3A, %eq3A_955 : vector<16x128xi32>
    %broadcast_in_dim3A_957 = vector.broadcast %get3A_953 : f32 to vector<16x128xf32>
    %select_n3A_958 = arith.select %eq3A_956, %broadcast_in_dim3A_957, %select_n3A_916 : vector<16x128xi1>, vector<16x128xf32>
    %eq3A_959 = arith.constant 4 : i32
    %eq3A_960 = vector.broadcast %eq3A_959 : i32 to vector<16x128xi32>
    %eq3A_961 = arith.cmpi eq, %iota3A_751, %eq3A_960 : vector<16x128xi32>
    %broadcast_in_dim3A_962 = vector.broadcast %get3A_953 : f32 to vector<16x128xf32>
    %select_n3A_963 = arith.select %eq3A_961, %broadcast_in_dim3A_962, %select_n3A_921 : vector<16x128xi1>, vector<16x128xf32>
    %get3A_964 = arith.constant 5 : index
    %get3A_965 = arith.constant 0 : index
    %get3A_966 = arith.index_cast %sub3A_456 : i32 to index
    %get3A_967 = memref.load %arg6[%get3A_964, %get3A_965, %get3A_966] : memref<12x3x128xf32, #tpu.memory_space<smem>>
    %eq3A_968 = arith.constant 5 : i32
    %eq3A_969 = vector.broadcast %eq3A_968 : i32 to vector<16x128xi32>
    %eq3A_970 = arith.cmpi eq, %iota3A, %eq3A_969 : vector<16x128xi32>
    %broadcast_in_dim3A_971 = vector.broadcast %get3A_967 : f32 to vector<16x128xf32>
    %select_n3A_972 = arith.select %eq3A_970, %broadcast_in_dim3A_971, %select_n3A_930 : vector<16x128xi1>, vector<16x128xf32>
    %eq3A_973 = arith.constant 5 : i32
    %eq3A_974 = vector.broadcast %eq3A_973 : i32 to vector<16x128xi32>
    %eq3A_975 = arith.cmpi eq, %iota3A_751, %eq3A_974 : vector<16x128xi32>
    %broadcast_in_dim3A_976 = vector.broadcast %get3A_967 : f32 to vector<16x128xf32>
    %select_n3A_977 = arith.select %eq3A_975, %broadcast_in_dim3A_976, %select_n3A_935 : vector<16x128xi1>, vector<16x128xf32>
    %get3A_978 = arith.constant 5 : index
    %get3A_979 = arith.constant 1 : index
    %get3A_980 = arith.index_cast %sub3A_456 : i32 to index
    %get3A_981 = memref.load %arg6[%get3A_978, %get3A_979, %get3A_980] : memref<12x3x128xf32, #tpu.memory_space<smem>>
    %eq3A_982 = arith.constant 5 : i32
    %eq3A_983 = vector.broadcast %eq3A_982 : i32 to vector<16x128xi32>
    %eq3A_984 = arith.cmpi eq, %iota3A, %eq3A_983 : vector<16x128xi32>
    %broadcast_in_dim3A_985 = vector.broadcast %get3A_981 : f32 to vector<16x128xf32>
    %select_n3A_986 = arith.select %eq3A_984, %broadcast_in_dim3A_985, %select_n3A_944 : vector<16x128xi1>, vector<16x128xf32>
    %eq3A_987 = arith.constant 5 : i32
    %eq3A_988 = vector.broadcast %eq3A_987 : i32 to vector<16x128xi32>
    %eq3A_989 = arith.cmpi eq, %iota3A_751, %eq3A_988 : vector<16x128xi32>
    %broadcast_in_dim3A_990 = vector.broadcast %get3A_981 : f32 to vector<16x128xf32>
    %select_n3A_991 = arith.select %eq3A_989, %broadcast_in_dim3A_990, %select_n3A_949 : vector<16x128xi1>, vector<16x128xf32>
    %get3A_992 = arith.constant 5 : index
    %get3A_993 = arith.constant 2 : index
    %get3A_994 = arith.index_cast %sub3A_456 : i32 to index
    %get3A_995 = memref.load %arg6[%get3A_992, %get3A_993, %get3A_994] : memref<12x3x128xf32, #tpu.memory_space<smem>>
    %eq3A_996 = arith.constant 5 : i32
    %eq3A_997 = vector.broadcast %eq3A_996 : i32 to vector<16x128xi32>
    %eq3A_998 = arith.cmpi eq, %iota3A, %eq3A_997 : vector<16x128xi32>
    %broadcast_in_dim3A_999 = vector.broadcast %get3A_995 : f32 to vector<16x128xf32>
    %select_n3A_1000 = arith.select %eq3A_998, %broadcast_in_dim3A_999, %select_n3A_958 : vector<16x128xi1>, vector<16x128xf32>
    %eq3A_1001 = arith.constant 5 : i32
    %eq3A_1002 = vector.broadcast %eq3A_1001 : i32 to vector<16x128xi32>
    %eq3A_1003 = arith.cmpi eq, %iota3A_751, %eq3A_1002 : vector<16x128xi32>
    %broadcast_in_dim3A_1004 = vector.broadcast %get3A_995 : f32 to vector<16x128xf32>
    %select_n3A_1005 = arith.select %eq3A_1003, %broadcast_in_dim3A_1004, %select_n3A_963 : vector<16x128xi1>, vector<16x128xf32>
    %get3A_1006 = arith.constant 6 : index
    %get3A_1007 = arith.constant 0 : index
    %get3A_1008 = arith.index_cast %sub3A_490 : i32 to index
    %get3A_1009 = memref.load %arg6[%get3A_1006, %get3A_1007, %get3A_1008] : memref<12x3x128xf32, #tpu.memory_space<smem>>
    %eq3A_1010 = arith.constant 6 : i32
    %eq3A_1011 = vector.broadcast %eq3A_1010 : i32 to vector<16x128xi32>
    %eq3A_1012 = arith.cmpi eq, %iota3A, %eq3A_1011 : vector<16x128xi32>
    %broadcast_in_dim3A_1013 = vector.broadcast %get3A_1009 : f32 to vector<16x128xf32>
    %select_n3A_1014 = arith.select %eq3A_1012, %broadcast_in_dim3A_1013, %select_n3A_972 : vector<16x128xi1>, vector<16x128xf32>
    %eq3A_1015 = arith.constant 6 : i32
    %eq3A_1016 = vector.broadcast %eq3A_1015 : i32 to vector<16x128xi32>
    %eq3A_1017 = arith.cmpi eq, %iota3A_751, %eq3A_1016 : vector<16x128xi32>
    %broadcast_in_dim3A_1018 = vector.broadcast %get3A_1009 : f32 to vector<16x128xf32>
    %select_n3A_1019 = arith.select %eq3A_1017, %broadcast_in_dim3A_1018, %select_n3A_977 : vector<16x128xi1>, vector<16x128xf32>
    %get3A_1020 = arith.constant 6 : index
    %get3A_1021 = arith.constant 1 : index
    %get3A_1022 = arith.index_cast %sub3A_490 : i32 to index
    %get3A_1023 = memref.load %arg6[%get3A_1020, %get3A_1021, %get3A_1022] : memref<12x3x128xf32, #tpu.memory_space<smem>>
    %eq3A_1024 = arith.constant 6 : i32
    %eq3A_1025 = vector.broadcast %eq3A_1024 : i32 to vector<16x128xi32>
    %eq3A_1026 = arith.cmpi eq, %iota3A, %eq3A_1025 : vector<16x128xi32>
    %broadcast_in_dim3A_1027 = vector.broadcast %get3A_1023 : f32 to vector<16x128xf32>
    %select_n3A_1028 = arith.select %eq3A_1026, %broadcast_in_dim3A_1027, %select_n3A_986 : vector<16x128xi1>, vector<16x128xf32>
    %eq3A_1029 = arith.constant 6 : i32
    %eq3A_1030 = vector.broadcast %eq3A_1029 : i32 to vector<16x128xi32>
    %eq3A_1031 = arith.cmpi eq, %iota3A_751, %eq3A_1030 : vector<16x128xi32>
    %broadcast_in_dim3A_1032 = vector.broadcast %get3A_1023 : f32 to vector<16x128xf32>
    %select_n3A_1033 = arith.select %eq3A_1031, %broadcast_in_dim3A_1032, %select_n3A_991 : vector<16x128xi1>, vector<16x128xf32>
    %get3A_1034 = arith.constant 6 : index
    %get3A_1035 = arith.constant 2 : index
    %get3A_1036 = arith.index_cast %sub3A_490 : i32 to index
    %get3A_1037 = memref.load %arg6[%get3A_1034, %get3A_1035, %get3A_1036] : memref<12x3x128xf32, #tpu.memory_space<smem>>
    %eq3A_1038 = arith.constant 6 : i32
    %eq3A_1039 = vector.broadcast %eq3A_1038 : i32 to vector<16x128xi32>
    %eq3A_1040 = arith.cmpi eq, %iota3A, %eq3A_1039 : vector<16x128xi32>
    %broadcast_in_dim3A_1041 = vector.broadcast %get3A_1037 : f32 to vector<16x128xf32>
    %select_n3A_1042 = arith.select %eq3A_1040, %broadcast_in_dim3A_1041, %select_n3A_1000 : vector<16x128xi1>, vector<16x128xf32>
    %eq3A_1043 = arith.constant 6 : i32
    %eq3A_1044 = vector.broadcast %eq3A_1043 : i32 to vector<16x128xi32>
    %eq3A_1045 = arith.cmpi eq, %iota3A_751, %eq3A_1044 : vector<16x128xi32>
    %broadcast_in_dim3A_1046 = vector.broadcast %get3A_1037 : f32 to vector<16x128xf32>
    %select_n3A_1047 = arith.select %eq3A_1045, %broadcast_in_dim3A_1046, %select_n3A_1005 : vector<16x128xi1>, vector<16x128xf32>
    %get3A_1048 = arith.constant 7 : index
    %get3A_1049 = arith.constant 0 : index
    %get3A_1050 = arith.index_cast %sub3A_524 : i32 to index
    %get3A_1051 = memref.load %arg6[%get3A_1048, %get3A_1049, %get3A_1050] : memref<12x3x128xf32, #tpu.memory_space<smem>>
    %eq3A_1052 = arith.constant 7 : i32
    %eq3A_1053 = vector.broadcast %eq3A_1052 : i32 to vector<16x128xi32>
    %eq3A_1054 = arith.cmpi eq, %iota3A, %eq3A_1053 : vector<16x128xi32>
    %broadcast_in_dim3A_1055 = vector.broadcast %get3A_1051 : f32 to vector<16x128xf32>
    %select_n3A_1056 = arith.select %eq3A_1054, %broadcast_in_dim3A_1055, %select_n3A_1014 : vector<16x128xi1>, vector<16x128xf32>
    %eq3A_1057 = arith.constant 7 : i32
    %eq3A_1058 = vector.broadcast %eq3A_1057 : i32 to vector<16x128xi32>
    %eq3A_1059 = arith.cmpi eq, %iota3A_751, %eq3A_1058 : vector<16x128xi32>
    %broadcast_in_dim3A_1060 = vector.broadcast %get3A_1051 : f32 to vector<16x128xf32>
    %select_n3A_1061 = arith.select %eq3A_1059, %broadcast_in_dim3A_1060, %select_n3A_1019 : vector<16x128xi1>, vector<16x128xf32>
    %get3A_1062 = arith.constant 7 : index
    %get3A_1063 = arith.constant 1 : index
    %get3A_1064 = arith.index_cast %sub3A_524 : i32 to index
    %get3A_1065 = memref.load %arg6[%get3A_1062, %get3A_1063, %get3A_1064] : memref<12x3x128xf32, #tpu.memory_space<smem>>
    %eq3A_1066 = arith.constant 7 : i32
    %eq3A_1067 = vector.broadcast %eq3A_1066 : i32 to vector<16x128xi32>
    %eq3A_1068 = arith.cmpi eq, %iota3A, %eq3A_1067 : vector<16x128xi32>
    %broadcast_in_dim3A_1069 = vector.broadcast %get3A_1065 : f32 to vector<16x128xf32>
    %select_n3A_1070 = arith.select %eq3A_1068, %broadcast_in_dim3A_1069, %select_n3A_1028 : vector<16x128xi1>, vector<16x128xf32>
    %eq3A_1071 = arith.constant 7 : i32
    %eq3A_1072 = vector.broadcast %eq3A_1071 : i32 to vector<16x128xi32>
    %eq3A_1073 = arith.cmpi eq, %iota3A_751, %eq3A_1072 : vector<16x128xi32>
    %broadcast_in_dim3A_1074 = vector.broadcast %get3A_1065 : f32 to vector<16x128xf32>
    %select_n3A_1075 = arith.select %eq3A_1073, %broadcast_in_dim3A_1074, %select_n3A_1033 : vector<16x128xi1>, vector<16x128xf32>
    %get3A_1076 = arith.constant 7 : index
    %get3A_1077 = arith.constant 2 : index
    %get3A_1078 = arith.index_cast %sub3A_524 : i32 to index
    %get3A_1079 = memref.load %arg6[%get3A_1076, %get3A_1077, %get3A_1078] : memref<12x3x128xf32, #tpu.memory_space<smem>>
    %eq3A_1080 = arith.constant 7 : i32
    %eq3A_1081 = vector.broadcast %eq3A_1080 : i32 to vector<16x128xi32>
    %eq3A_1082 = arith.cmpi eq, %iota3A, %eq3A_1081 : vector<16x128xi32>
    %broadcast_in_dim3A_1083 = vector.broadcast %get3A_1079 : f32 to vector<16x128xf32>
    %select_n3A_1084 = arith.select %eq3A_1082, %broadcast_in_dim3A_1083, %select_n3A_1042 : vector<16x128xi1>, vector<16x128xf32>
    %eq3A_1085 = arith.constant 7 : i32
    %eq3A_1086 = vector.broadcast %eq3A_1085 : i32 to vector<16x128xi32>
    %eq3A_1087 = arith.cmpi eq, %iota3A_751, %eq3A_1086 : vector<16x128xi32>
    %broadcast_in_dim3A_1088 = vector.broadcast %get3A_1079 : f32 to vector<16x128xf32>
    %select_n3A_1089 = arith.select %eq3A_1087, %broadcast_in_dim3A_1088, %select_n3A_1047 : vector<16x128xi1>, vector<16x128xf32>
    %get3A_1090 = arith.constant 8 : index
    %get3A_1091 = arith.constant 0 : index
    %get3A_1092 = arith.index_cast %sub3A_558 : i32 to index
    %get3A_1093 = memref.load %arg6[%get3A_1090, %get3A_1091, %get3A_1092] : memref<12x3x128xf32, #tpu.memory_space<smem>>
    %eq3A_1094 = arith.constant 8 : i32
    %eq3A_1095 = vector.broadcast %eq3A_1094 : i32 to vector<16x128xi32>
    %eq3A_1096 = arith.cmpi eq, %iota3A, %eq3A_1095 : vector<16x128xi32>
    %broadcast_in_dim3A_1097 = vector.broadcast %get3A_1093 : f32 to vector<16x128xf32>
    %select_n3A_1098 = arith.select %eq3A_1096, %broadcast_in_dim3A_1097, %select_n3A_1056 : vector<16x128xi1>, vector<16x128xf32>
    %eq3A_1099 = arith.constant 8 : i32
    %eq3A_1100 = vector.broadcast %eq3A_1099 : i32 to vector<16x128xi32>
    %eq3A_1101 = arith.cmpi eq, %iota3A_751, %eq3A_1100 : vector<16x128xi32>
    %broadcast_in_dim3A_1102 = vector.broadcast %get3A_1093 : f32 to vector<16x128xf32>
    %select_n3A_1103 = arith.select %eq3A_1101, %broadcast_in_dim3A_1102, %select_n3A_1061 : vector<16x128xi1>, vector<16x128xf32>
    %get3A_1104 = arith.constant 8 : index
    %get3A_1105 = arith.constant 1 : index
    %get3A_1106 = arith.index_cast %sub3A_558 : i32 to index
    %get3A_1107 = memref.load %arg6[%get3A_1104, %get3A_1105, %get3A_1106] : memref<12x3x128xf32, #tpu.memory_space<smem>>
    %eq3A_1108 = arith.constant 8 : i32
    %eq3A_1109 = vector.broadcast %eq3A_1108 : i32 to vector<16x128xi32>
    %eq3A_1110 = arith.cmpi eq, %iota3A, %eq3A_1109 : vector<16x128xi32>
    %broadcast_in_dim3A_1111 = vector.broadcast %get3A_1107 : f32 to vector<16x128xf32>
    %select_n3A_1112 = arith.select %eq3A_1110, %broadcast_in_dim3A_1111, %select_n3A_1070 : vector<16x128xi1>, vector<16x128xf32>
    %eq3A_1113 = arith.constant 8 : i32
    %eq3A_1114 = vector.broadcast %eq3A_1113 : i32 to vector<16x128xi32>
    %eq3A_1115 = arith.cmpi eq, %iota3A_751, %eq3A_1114 : vector<16x128xi32>
    %broadcast_in_dim3A_1116 = vector.broadcast %get3A_1107 : f32 to vector<16x128xf32>
    %select_n3A_1117 = arith.select %eq3A_1115, %broadcast_in_dim3A_1116, %select_n3A_1075 : vector<16x128xi1>, vector<16x128xf32>
    %get3A_1118 = arith.constant 8 : index
    %get3A_1119 = arith.constant 2 : index
    %get3A_1120 = arith.index_cast %sub3A_558 : i32 to index
    %get3A_1121 = memref.load %arg6[%get3A_1118, %get3A_1119, %get3A_1120] : memref<12x3x128xf32, #tpu.memory_space<smem>>
    %eq3A_1122 = arith.constant 8 : i32
    %eq3A_1123 = vector.broadcast %eq3A_1122 : i32 to vector<16x128xi32>
    %eq3A_1124 = arith.cmpi eq, %iota3A, %eq3A_1123 : vector<16x128xi32>
    %broadcast_in_dim3A_1125 = vector.broadcast %get3A_1121 : f32 to vector<16x128xf32>
    %select_n3A_1126 = arith.select %eq3A_1124, %broadcast_in_dim3A_1125, %select_n3A_1084 : vector<16x128xi1>, vector<16x128xf32>
    %eq3A_1127 = arith.constant 8 : i32
    %eq3A_1128 = vector.broadcast %eq3A_1127 : i32 to vector<16x128xi32>
    %eq3A_1129 = arith.cmpi eq, %iota3A_751, %eq3A_1128 : vector<16x128xi32>
    %broadcast_in_dim3A_1130 = vector.broadcast %get3A_1121 : f32 to vector<16x128xf32>
    %select_n3A_1131 = arith.select %eq3A_1129, %broadcast_in_dim3A_1130, %select_n3A_1089 : vector<16x128xi1>, vector<16x128xf32>
    %get3A_1132 = arith.constant 9 : index
    %get3A_1133 = arith.constant 0 : index
    %get3A_1134 = arith.index_cast %sub3A_592 : i32 to index
    %get3A_1135 = memref.load %arg6[%get3A_1132, %get3A_1133, %get3A_1134] : memref<12x3x128xf32, #tpu.memory_space<smem>>
    %eq3A_1136 = arith.constant 9 : i32
    %eq3A_1137 = vector.broadcast %eq3A_1136 : i32 to vector<16x128xi32>
    %eq3A_1138 = arith.cmpi eq, %iota3A, %eq3A_1137 : vector<16x128xi32>
    %broadcast_in_dim3A_1139 = vector.broadcast %get3A_1135 : f32 to vector<16x128xf32>
    %select_n3A_1140 = arith.select %eq3A_1138, %broadcast_in_dim3A_1139, %select_n3A_1098 : vector<16x128xi1>, vector<16x128xf32>
    %eq3A_1141 = arith.constant 9 : i32
    %eq3A_1142 = vector.broadcast %eq3A_1141 : i32 to vector<16x128xi32>
    %eq3A_1143 = arith.cmpi eq, %iota3A_751, %eq3A_1142 : vector<16x128xi32>
    %broadcast_in_dim3A_1144 = vector.broadcast %get3A_1135 : f32 to vector<16x128xf32>
    %select_n3A_1145 = arith.select %eq3A_1143, %broadcast_in_dim3A_1144, %select_n3A_1103 : vector<16x128xi1>, vector<16x128xf32>
    %get3A_1146 = arith.constant 9 : index
    %get3A_1147 = arith.constant 1 : index
    %get3A_1148 = arith.index_cast %sub3A_592 : i32 to index
    %get3A_1149 = memref.load %arg6[%get3A_1146, %get3A_1147, %get3A_1148] : memref<12x3x128xf32, #tpu.memory_space<smem>>
    %eq3A_1150 = arith.constant 9 : i32
    %eq3A_1151 = vector.broadcast %eq3A_1150 : i32 to vector<16x128xi32>
    %eq3A_1152 = arith.cmpi eq, %iota3A, %eq3A_1151 : vector<16x128xi32>
    %broadcast_in_dim3A_1153 = vector.broadcast %get3A_1149 : f32 to vector<16x128xf32>
    %select_n3A_1154 = arith.select %eq3A_1152, %broadcast_in_dim3A_1153, %select_n3A_1112 : vector<16x128xi1>, vector<16x128xf32>
    %eq3A_1155 = arith.constant 9 : i32
    %eq3A_1156 = vector.broadcast %eq3A_1155 : i32 to vector<16x128xi32>
    %eq3A_1157 = arith.cmpi eq, %iota3A_751, %eq3A_1156 : vector<16x128xi32>
    %broadcast_in_dim3A_1158 = vector.broadcast %get3A_1149 : f32 to vector<16x128xf32>
    %select_n3A_1159 = arith.select %eq3A_1157, %broadcast_in_dim3A_1158, %select_n3A_1117 : vector<16x128xi1>, vector<16x128xf32>
    %get3A_1160 = arith.constant 9 : index
    %get3A_1161 = arith.constant 2 : index
    %get3A_1162 = arith.index_cast %sub3A_592 : i32 to index
    %get3A_1163 = memref.load %arg6[%get3A_1160, %get3A_1161, %get3A_1162] : memref<12x3x128xf32, #tpu.memory_space<smem>>
    %eq3A_1164 = arith.constant 9 : i32
    %eq3A_1165 = vector.broadcast %eq3A_1164 : i32 to vector<16x128xi32>
    %eq3A_1166 = arith.cmpi eq, %iota3A, %eq3A_1165 : vector<16x128xi32>
    %broadcast_in_dim3A_1167 = vector.broadcast %get3A_1163 : f32 to vector<16x128xf32>
    %select_n3A_1168 = arith.select %eq3A_1166, %broadcast_in_dim3A_1167, %select_n3A_1126 : vector<16x128xi1>, vector<16x128xf32>
    %eq3A_1169 = arith.constant 9 : i32
    %eq3A_1170 = vector.broadcast %eq3A_1169 : i32 to vector<16x128xi32>
    %eq3A_1171 = arith.cmpi eq, %iota3A_751, %eq3A_1170 : vector<16x128xi32>
    %broadcast_in_dim3A_1172 = vector.broadcast %get3A_1163 : f32 to vector<16x128xf32>
    %select_n3A_1173 = arith.select %eq3A_1171, %broadcast_in_dim3A_1172, %select_n3A_1131 : vector<16x128xi1>, vector<16x128xf32>
    %get3A_1174 = arith.constant 10 : index
    %get3A_1175 = arith.constant 0 : index
    %get3A_1176 = arith.index_cast %sub3A_626 : i32 to index
    %get3A_1177 = memref.load %arg6[%get3A_1174, %get3A_1175, %get3A_1176] : memref<12x3x128xf32, #tpu.memory_space<smem>>
    %eq3A_1178 = arith.constant 10 : i32
    %eq3A_1179 = vector.broadcast %eq3A_1178 : i32 to vector<16x128xi32>
    %eq3A_1180 = arith.cmpi eq, %iota3A, %eq3A_1179 : vector<16x128xi32>
    %broadcast_in_dim3A_1181 = vector.broadcast %get3A_1177 : f32 to vector<16x128xf32>
    %select_n3A_1182 = arith.select %eq3A_1180, %broadcast_in_dim3A_1181, %select_n3A_1140 : vector<16x128xi1>, vector<16x128xf32>
    %eq3A_1183 = arith.constant 10 : i32
    %eq3A_1184 = vector.broadcast %eq3A_1183 : i32 to vector<16x128xi32>
    %eq3A_1185 = arith.cmpi eq, %iota3A_751, %eq3A_1184 : vector<16x128xi32>
    %broadcast_in_dim3A_1186 = vector.broadcast %get3A_1177 : f32 to vector<16x128xf32>
    %select_n3A_1187 = arith.select %eq3A_1185, %broadcast_in_dim3A_1186, %select_n3A_1145 : vector<16x128xi1>, vector<16x128xf32>
    %get3A_1188 = arith.constant 10 : index
    %get3A_1189 = arith.constant 1 : index
    %get3A_1190 = arith.index_cast %sub3A_626 : i32 to index
    %get3A_1191 = memref.load %arg6[%get3A_1188, %get3A_1189, %get3A_1190] : memref<12x3x128xf32, #tpu.memory_space<smem>>
    %eq3A_1192 = arith.constant 10 : i32
    %eq3A_1193 = vector.broadcast %eq3A_1192 : i32 to vector<16x128xi32>
    %eq3A_1194 = arith.cmpi eq, %iota3A, %eq3A_1193 : vector<16x128xi32>
    %broadcast_in_dim3A_1195 = vector.broadcast %get3A_1191 : f32 to vector<16x128xf32>
    %select_n3A_1196 = arith.select %eq3A_1194, %broadcast_in_dim3A_1195, %select_n3A_1154 : vector<16x128xi1>, vector<16x128xf32>
    %eq3A_1197 = arith.constant 10 : i32
    %eq3A_1198 = vector.broadcast %eq3A_1197 : i32 to vector<16x128xi32>
    %eq3A_1199 = arith.cmpi eq, %iota3A_751, %eq3A_1198 : vector<16x128xi32>
    %broadcast_in_dim3A_1200 = vector.broadcast %get3A_1191 : f32 to vector<16x128xf32>
    %select_n3A_1201 = arith.select %eq3A_1199, %broadcast_in_dim3A_1200, %select_n3A_1159 : vector<16x128xi1>, vector<16x128xf32>
    %get3A_1202 = arith.constant 10 : index
    %get3A_1203 = arith.constant 2 : index
    %get3A_1204 = arith.index_cast %sub3A_626 : i32 to index
    %get3A_1205 = memref.load %arg6[%get3A_1202, %get3A_1203, %get3A_1204] : memref<12x3x128xf32, #tpu.memory_space<smem>>
    %eq3A_1206 = arith.constant 10 : i32
    %eq3A_1207 = vector.broadcast %eq3A_1206 : i32 to vector<16x128xi32>
    %eq3A_1208 = arith.cmpi eq, %iota3A, %eq3A_1207 : vector<16x128xi32>
    %broadcast_in_dim3A_1209 = vector.broadcast %get3A_1205 : f32 to vector<16x128xf32>
    %select_n3A_1210 = arith.select %eq3A_1208, %broadcast_in_dim3A_1209, %select_n3A_1168 : vector<16x128xi1>, vector<16x128xf32>
    %eq3A_1211 = arith.constant 10 : i32
    %eq3A_1212 = vector.broadcast %eq3A_1211 : i32 to vector<16x128xi32>
    %eq3A_1213 = arith.cmpi eq, %iota3A_751, %eq3A_1212 : vector<16x128xi32>
    %broadcast_in_dim3A_1214 = vector.broadcast %get3A_1205 : f32 to vector<16x128xf32>
    %select_n3A_1215 = arith.select %eq3A_1213, %broadcast_in_dim3A_1214, %select_n3A_1173 : vector<16x128xi1>, vector<16x128xf32>
    %get3A_1216 = arith.constant 11 : index
    %get3A_1217 = arith.constant 0 : index
    %get3A_1218 = arith.index_cast %sub3A_660 : i32 to index
    %get3A_1219 = memref.load %arg6[%get3A_1216, %get3A_1217, %get3A_1218] : memref<12x3x128xf32, #tpu.memory_space<smem>>
    %eq3A_1220 = arith.constant 11 : i32
    %eq3A_1221 = vector.broadcast %eq3A_1220 : i32 to vector<16x128xi32>
    %eq3A_1222 = arith.cmpi eq, %iota3A, %eq3A_1221 : vector<16x128xi32>
    %broadcast_in_dim3A_1223 = vector.broadcast %get3A_1219 : f32 to vector<16x128xf32>
    %select_n3A_1224 = arith.select %eq3A_1222, %broadcast_in_dim3A_1223, %select_n3A_1182 : vector<16x128xi1>, vector<16x128xf32>
    %eq3A_1225 = arith.constant 11 : i32
    %eq3A_1226 = vector.broadcast %eq3A_1225 : i32 to vector<16x128xi32>
    %eq3A_1227 = arith.cmpi eq, %iota3A_751, %eq3A_1226 : vector<16x128xi32>
    %broadcast_in_dim3A_1228 = vector.broadcast %get3A_1219 : f32 to vector<16x128xf32>
    %select_n3A_1229 = arith.select %eq3A_1227, %broadcast_in_dim3A_1228, %select_n3A_1187 : vector<16x128xi1>, vector<16x128xf32>
    %get3A_1230 = arith.constant 11 : index
    %get3A_1231 = arith.constant 1 : index
    %get3A_1232 = arith.index_cast %sub3A_660 : i32 to index
    %get3A_1233 = memref.load %arg6[%get3A_1230, %get3A_1231, %get3A_1232] : memref<12x3x128xf32, #tpu.memory_space<smem>>
    %eq3A_1234 = arith.constant 11 : i32
    %eq3A_1235 = vector.broadcast %eq3A_1234 : i32 to vector<16x128xi32>
    %eq3A_1236 = arith.cmpi eq, %iota3A, %eq3A_1235 : vector<16x128xi32>
    %broadcast_in_dim3A_1237 = vector.broadcast %get3A_1233 : f32 to vector<16x128xf32>
    %select_n3A_1238 = arith.select %eq3A_1236, %broadcast_in_dim3A_1237, %select_n3A_1196 : vector<16x128xi1>, vector<16x128xf32>
    %eq3A_1239 = arith.constant 11 : i32
    %eq3A_1240 = vector.broadcast %eq3A_1239 : i32 to vector<16x128xi32>
    %eq3A_1241 = arith.cmpi eq, %iota3A_751, %eq3A_1240 : vector<16x128xi32>
    %broadcast_in_dim3A_1242 = vector.broadcast %get3A_1233 : f32 to vector<16x128xf32>
    %select_n3A_1243 = arith.select %eq3A_1241, %broadcast_in_dim3A_1242, %select_n3A_1201 : vector<16x128xi1>, vector<16x128xf32>
    %get3A_1244 = arith.constant 11 : index
    %get3A_1245 = arith.constant 2 : index
    %get3A_1246 = arith.index_cast %sub3A_660 : i32 to index
    %get3A_1247 = memref.load %arg6[%get3A_1244, %get3A_1245, %get3A_1246] : memref<12x3x128xf32, #tpu.memory_space<smem>>
    %eq3A_1248 = arith.constant 11 : i32
    %eq3A_1249 = vector.broadcast %eq3A_1248 : i32 to vector<16x128xi32>
    %eq3A_1250 = arith.cmpi eq, %iota3A, %eq3A_1249 : vector<16x128xi32>
    %broadcast_in_dim3A_1251 = vector.broadcast %get3A_1247 : f32 to vector<16x128xf32>
    %select_n3A_1252 = arith.select %eq3A_1250, %broadcast_in_dim3A_1251, %select_n3A_1210 : vector<16x128xi1>, vector<16x128xf32>
    %eq3A_1253 = arith.constant 11 : i32
    %eq3A_1254 = vector.broadcast %eq3A_1253 : i32 to vector<16x128xi32>
    %eq3A_1255 = arith.cmpi eq, %iota3A_751, %eq3A_1254 : vector<16x128xi32>
    %broadcast_in_dim3A_1256 = vector.broadcast %get3A_1247 : f32 to vector<16x128xf32>
    %select_n3A_1257 = arith.select %eq3A_1255, %broadcast_in_dim3A_1256, %select_n3A_1215 : vector<16x128xi1>, vector<16x128xf32>
    %sub3A_1258 = arith.subf %select_n3A_1224, %select_n3A_1229 : vector<16x128xf32>
    %integer_pow3A = arith.mulf %sub3A_1258, %sub3A_1258 : vector<16x128xf32>
    %sub3A_1259 = arith.subf %select_n3A_1238, %select_n3A_1243 : vector<16x128xf32>
    %integer_pow3A_1260 = arith.mulf %sub3A_1259, %sub3A_1259 : vector<16x128xf32>
    %add3A = arith.addf %integer_pow3A, %integer_pow3A_1260 : vector<16x128xf32>
    %sub3A_1261 = arith.subf %select_n3A_1252, %select_n3A_1257 : vector<16x128xf32>
    %integer_pow3A_1262 = arith.mulf %sub3A_1261, %sub3A_1261 : vector<16x128xf32>
    %add3A_1263 = arith.addf %add3A, %integer_pow3A_1262 : vector<16x128xf32>
    %lt3A = arith.constant 12 : i32
    %lt3A_1264 = vector.broadcast %lt3A : i32 to vector<16x128xi32>
    %lt3A_1265 = arith.cmpi slt, %iota3A, %lt3A_1264 : vector<16x128xi32>
    %lt3A_1266 = arith.constant 12 : i32
    %lt3A_1267 = vector.broadcast %lt3A_1266 : i32 to vector<16x128xi32>
    %lt3A_1268 = arith.cmpi slt, %iota3A_751, %lt3A_1267 : vector<16x128xi32>
    %and3A_1269 = arith.andi %lt3A_1265, %lt3A_1268 : vector<16x128xi1>
    %sqrt3A = math.sqrt %add3A_1263 : vector<16x128xf32>
    %jit3A_1270 = arith.constant 0.000000e+00 : f32
    %broadcast_in_dim3A_1271 = vector.broadcast %jit3A_1270 : f32 to vector<16x128xf32>
    %select_n3A_1272 = arith.select %and3A_1269, %sqrt3A, %broadcast_in_dim3A_1271 : vector<16x128xi1>, vector<16x128xf32>
    %reduce_sum3A = vector.shape_cast %select_n3A_1272 : vector<16x128xf32> to vector<1x16x128xf32>
    %reduce_sum3A_1273 = arith.constant dense<0.000000e+00> : vector<1xf32>
    %reduce_sum3A_1274 = vector.multi_reduction <add>, %reduce_sum3A, %reduce_sum3A_1273 [1, 2] : vector<1x16x128xf32> to vector<1xf32>
    %reduce_sum3A_1275 = vector.shape_cast %reduce_sum3A_1274 : vector<1xf32> to vector<1x1x1xf32>
    %reduce_sum3A_1276 = vector.extract %reduce_sum3A_1275[0, 0, 0] : f32 from vector<1x1x1xf32>
    %mul3A_1277 = arith.constant 5.000000e-01 : f32
    %mul3A_1278 = arith.mulf %mul3A_1277, %reduce_sum3A_1276 : f32
    %get3A_1279 = arith.constant 0 : index
    %get3A_1280 = arith.constant 0 : index
    %get3A_1281 = arith.constant 0 : index
    %get3A_1282 = memref.load %arg3[%get3A_1279, %get3A_1280, %get3A_1281] : memref<16x1x128xf32, #tpu.memory_space<smem>>
    %get3A_1283 = arith.constant 1 : index
    %get3A_1284 = arith.constant 0 : index
    %get3A_1285 = arith.constant 0 : index
    %get3A_1286 = memref.load %arg3[%get3A_1283, %get3A_1284, %get3A_1285] : memref<16x1x128xf32, #tpu.memory_space<smem>>
    %add3A_1287 = arith.addf %get3A_1282, %get3A_1286 : f32
    %get3A_1288 = arith.constant 2 : index
    %get3A_1289 = arith.constant 0 : index
    %get3A_1290 = arith.constant 0 : index
    %get3A_1291 = memref.load %arg3[%get3A_1288, %get3A_1289, %get3A_1290] : memref<16x1x128xf32, #tpu.memory_space<smem>>
    %add3A_1292 = arith.addf %add3A_1287, %get3A_1291 : f32
    %get3A_1293 = arith.constant 3 : index
    %get3A_1294 = arith.constant 0 : index
    %get3A_1295 = arith.constant 0 : index
    %get3A_1296 = memref.load %arg3[%get3A_1293, %get3A_1294, %get3A_1295] : memref<16x1x128xf32, #tpu.memory_space<smem>>
    %add3A_1297 = arith.addf %add3A_1292, %get3A_1296 : f32
    %get3A_1298 = arith.constant 4 : index
    %get3A_1299 = arith.constant 0 : index
    %get3A_1300 = arith.constant 0 : index
    %get3A_1301 = memref.load %arg3[%get3A_1298, %get3A_1299, %get3A_1300] : memref<16x1x128xf32, #tpu.memory_space<smem>>
    %add3A_1302 = arith.addf %add3A_1297, %get3A_1301 : f32
    %get3A_1303 = arith.constant 5 : index
    %get3A_1304 = arith.constant 0 : index
    %get3A_1305 = arith.constant 0 : index
    %get3A_1306 = memref.load %arg3[%get3A_1303, %get3A_1304, %get3A_1305] : memref<16x1x128xf32, #tpu.memory_space<smem>>
    %add3A_1307 = arith.addf %add3A_1302, %get3A_1306 : f32
    %get3A_1308 = arith.constant 6 : index
    %get3A_1309 = arith.constant 0 : index
    %get3A_1310 = arith.constant 0 : index
    %get3A_1311 = memref.load %arg3[%get3A_1308, %get3A_1309, %get3A_1310] : memref<16x1x128xf32, #tpu.memory_space<smem>>
    %add3A_1312 = arith.addf %add3A_1307, %get3A_1311 : f32
    %get3A_1313 = arith.constant 7 : index
    %get3A_1314 = arith.constant 0 : index
    %get3A_1315 = arith.constant 0 : index
    %get3A_1316 = memref.load %arg3[%get3A_1313, %get3A_1314, %get3A_1315] : memref<16x1x128xf32, #tpu.memory_space<smem>>
    %add3A_1317 = arith.addf %add3A_1312, %get3A_1316 : f32
    %get3A_1318 = arith.constant 8 : index
    %get3A_1319 = arith.constant 0 : index
    %get3A_1320 = arith.constant 0 : index
    %get3A_1321 = memref.load %arg3[%get3A_1318, %get3A_1319, %get3A_1320] : memref<16x1x128xf32, #tpu.memory_space<smem>>
    %add3A_1322 = arith.addf %add3A_1317, %get3A_1321 : f32
    %get3A_1323 = arith.constant 9 : index
    %get3A_1324 = arith.constant 0 : index
    %get3A_1325 = arith.constant 0 : index
    %get3A_1326 = memref.load %arg3[%get3A_1323, %get3A_1324, %get3A_1325] : memref<16x1x128xf32, #tpu.memory_space<smem>>
    %add3A_1327 = arith.addf %add3A_1322, %get3A_1326 : f32
    %get3A_1328 = arith.constant 10 : index
    %get3A_1329 = arith.constant 0 : index
    %get3A_1330 = arith.constant 0 : index
    %get3A_1331 = memref.load %arg3[%get3A_1328, %get3A_1329, %get3A_1330] : memref<16x1x128xf32, #tpu.memory_space<smem>>
    %add3A_1332 = arith.addf %add3A_1327, %get3A_1331 : f32
    %get3A_1333 = arith.constant 11 : index
    %get3A_1334 = arith.constant 0 : index
    %get3A_1335 = arith.constant 0 : index
    %get3A_1336 = memref.load %arg3[%get3A_1333, %get3A_1334, %get3A_1335] : memref<16x1x128xf32, #tpu.memory_space<smem>>
    %add3A_1337 = arith.addf %add3A_1332, %get3A_1336 : f32
    %get3A_1338 = arith.constant 12 : index
    %get3A_1339 = arith.constant 0 : index
    %get3A_1340 = arith.constant 0 : index
    %get3A_1341 = memref.load %arg3[%get3A_1338, %get3A_1339, %get3A_1340] : memref<16x1x128xf32, #tpu.memory_space<smem>>
    %add3A_1342 = arith.addf %add3A_1337, %get3A_1341 : f32
    %get3A_1343 = arith.constant 13 : index
    %get3A_1344 = arith.constant 0 : index
    %get3A_1345 = arith.constant 0 : index
    %get3A_1346 = memref.load %arg3[%get3A_1343, %get3A_1344, %get3A_1345] : memref<16x1x128xf32, #tpu.memory_space<smem>>
    %add3A_1347 = arith.addf %add3A_1342, %get3A_1346 : f32
    %get3A_1348 = arith.constant 14 : index
    %get3A_1349 = arith.constant 0 : index
    %get3A_1350 = arith.constant 0 : index
    %get3A_1351 = memref.load %arg3[%get3A_1348, %get3A_1349, %get3A_1350] : memref<16x1x128xf32, #tpu.memory_space<smem>>
    %add3A_1352 = arith.addf %add3A_1347, %get3A_1351 : f32
    %get3A_1353 = arith.constant 15 : index
    %get3A_1354 = arith.constant 0 : index
    %get3A_1355 = arith.constant 0 : index
    %get3A_1356 = memref.load %arg3[%get3A_1353, %get3A_1354, %get3A_1355] : memref<16x1x128xf32, #tpu.memory_space<smem>>
    %add3A_1357 = arith.addf %add3A_1352, %get3A_1356 : f32
    %div3A_1358 = arith.constant 0x4C000000 : f32
    %div3A_1359 = arith.divf %add3A_1357, %div3A_1358 : f32
    %div3A_1360 = arith.constant 1.200000e+01 : f32
    %div3A_1361 = arith.divf %mul3A_1278, %div3A_1360 : f32
    %add3A_1362 = arith.addf %div3A_1359, %div3A_1361 : f32
    %swap3A = arith.constant 0 : index
    %swap3A_1363 = arith.constant 0 : index
    %swap3A_1364 = memref.load %arg4[%swap3A, %swap3A_1363] : memref<1x1xf32, #tpu.memory_space<smem>>
    memref.store %add3A_1362, %arg4[%swap3A, %swap3A_1363] : memref<1x1xf32, #tpu.memory_space<smem>>
    return
  }
}

</mosaic_0001>

<sc_bundles>
// kernel: kernel.5.cloned.1.call-start
scs
__scs_entry_jumppad:
0x0: {  	(pc) =	sbr.rel $0x88, $3  }
0x1: {  	(tag) =	ssettag $0x0;
	lr =	simm.s32 $0x1  }
0x2: {  	[smem:$0x3F9D] =	sst lr;
	_ =	strace $0xD0000000  }
0x3: {  	_ = 	snop  }
0x4: {  	_ = 	snop  }
0x5: {  	_ = 	snop  }
0x6: {  	_ = 	snop  }
0x7: {  	_ = 	snop  }
__scs_overlays_trampoline_lowered:
0x8: {  	[smem:$0x3FAC] =	sst s0  }
0x9: {  	[smem:$0x3FAD] =	sst s1  }
0xa: {  	[smem:$0x3FAE] =	sst s2  }
0xb: {  	[smem:$0x3FAF] =	sst s3  }
0xc: {  	[smem:$0x3FB0] =	sst s4  }
0xd: {  	[smem:$0x3FB1] =	sst s5  }
0xe: {  	[smem:$0x3FB2] =	sst s6  }
0xf: {  	[smem:$0x3FB3] =	sst s7  }
0x10: {  	[smem:$0x3FB4] =	sst s8  }
0x11: {  	[smem:$0x3FB5] =	sst s9;
	s0 =	simm.s32 @!p0 $0x0  }
0x12: {  	s1 =	sld [smem:$0x3F9B];
	s0 =	simm.s32 @p0 $0x1  }
0x13: {  	[smem:$0x3FB6] =	sst s0;
	s0 =	simm.s32 @!p1 $0x0  }
0x14: {  	s2 =	sld [smem:$0x3F9A];
	s0 =	simm.s32 @p1 $0x1  }
0x15: {  	[smem:$0x3FB7] =	sst s0;
	s0 =	simm.s32 @!p2 $0x0  }
0x16: {  	s3 =	sld [smem:$0x3FDB];
	s0 =	simm.s32 @p2 $0x1  }
0x17: {  	s4 =	simm.s32 $0x1BF5;
	[smem:$0x3FB9] =	sst s0  }
0x18: {  	s0 =	sld [smem:$0x3F9C];
	_ =	swait.ge [sflag:s4], $0x0  }
0x19: {  	s7 =	sld [smem:$0x3F9D]  }
0x1a: {  	s8 =	sadd.s32 $0xFFFFE003, lr  }
0x1b: {  	s9 =	sadd.s32 $0xFFFFFEF7, lr;
	s5 =	simm.s32 $0xFFFFFFFF;
	p2 =	slt.u32 s8, $0xFFFFF086  }
0x1c: {  	p1 =	slt.u32 s9, $0xF7A;
	s5 =	simm.s32 @!p2 $0x0  }
0x1d: {  	s5 =	simm.s32 @p1 $0x1;
	p0 =	seq.s32 s7, s2  }
0x1e: {  	s7 =	smul.u32 @!p0 $0xF7A, s2;
	p2 =	seq.s32 @!p0 s5, $0x0  }
0x1f: {  	s9 =	smul.u32 $0xF7A, s1;
	s8 =	simm.s32 @!p0 $0x1BF5;
	p2 =	por !p2, p0  }
0x20: {  	[sflag:s8] =	ssyncset.s32 @!p0 $0xFFFFF086;
	s6 =	sadd.s32 @!p0 s3, s7;
	s7 =	simm.s32 @!p0 $0x108  }
0x21: {  	s3 =	sadd.s32 s3, s9;
	s6 =	sadd.s32 @!p0 $0x88, s6;
	s7 =	simm.s32 @p2 $0x1082  }
0x22: {  	[simem:s7], [sflag:s8] =	dma.local @!p0 [hbm:s6], $0xF7A  }
0x23: {  	s9 =	sor.u32 $0xD0000000, s2;
	s6 =	simm.s32 $0x108;
	_ =	swait.ge @!p0 [sflag:s8], $0x0  }
0x24: {  	s3 =	sadd.s32 $0x88, s3;
	s6 =	simm.s32 @!p1 $0x1082;
	[sflag:s4] =	ssyncset.s32 $0xFFFFF086  }
0x25: {  	[simem:s6], [sflag:s4] =	dma.local [hbm:s3], $0xF7A  }
0x26: {  	[smem:$0x3F9D] =	sst s1;
	(tag) =	ssettag s2;
	_ =	strace s9  }
0x27: {  	s1 =	sld [smem:$0x3FAD]  }
0x28: {  	s2 =	sld [smem:$0x3FAE]  }
0x29: {  	s4 =	sld [smem:$0x3FB0]  }
0x2a: {  	p0 =	seq.s32 s5, $0x0;
	s5 =	sld [smem:$0x3FB1]  }
0x2b: {  	s6 =	sld [smem:$0x3FB2]  }
0x2c: {  	s7 =	sld [smem:$0x3FB3]  }
0x2d: {  	s3 =	simm.s32 $0x108;
	s8 =	sld [smem:$0x3FB4]  }
0x2e: {  	s3 =	simm.s32 @!p0 $0x1082;
	s9 =	sld [smem:$0x3FB5]  }
0x2f: {  	lr =	sadd.s32 s0, s3;
	s0 =	sld [smem:$0x3FAC]  }
0x30: {  	s3 =	sld [smem:$0x3FAF]  }
0x31: {  	[smem:$0x3FB8] =	sst s10  }
0x32: {  	s10 =	sld [smem:$0x3FB6];
	_ =	sdelay $0x3  }
0x33: {  	p0 =	seq.s32 s10, $0x1;
	s10 =	sld [smem:$0x3FB8];
	_ =	sdelay $0x3  }
0x34: {  	[smem:$0x3FB8] =	sst s10  }
0x35: {  	s10 =	sld [smem:$0x3FB7];
	_ =	sdelay $0x3  }
0x36: {  	p1 =	seq.s32 s10, $0x1;
	s10 =	sld [smem:$0x3FB8];
	_ =	sdelay $0x3  }
0x37: {  	[smem:$0x3FB8] =	sst s10  }
0x38: {  	s10 =	sld [smem:$0x3FB9]  }
0x39: {  	_ = 	snop;
	(pc) =	sbr.ind lr, $3  }
0x3a: {  	_ = 	snop  }
0x3b: {  	_ = 	snop  }
0x3c: {  	p2 =	seq.s32 s10, $0x1;
	s10 =	sld [smem:$0x3FB8]  }
0x3d: {  	_ =	shalt  }
0x3e: {  	_ =	shalt  }
0x3f: {  	_ =	shalt  }
0x40: {  	_ =	shalt  }
0x41: {  	_ =	shalt  }
0x42: {  	_ =	shalt  }
0x43: {  	_ =	shalt  }
0x44: {  	_ =	shalt  }
0x45: {  	_ =	shalt  }
0x46: {  	_ =	shalt  }
0x47: {  	_ =	shalt  }
0x48: {  	_ =	shalt  }
0x49: {  	_ =	shalt  }
0x4a: {  	_ =	shalt  }
0x4b: {  	_ =	shalt  }
0x4c: {  	_ =	shalt  }
0x4d: {  	_ =	shalt  }
0x4e: {  	_ =	shalt  }
0x4f: {  	_ =	shalt  }
0x50: {  	_ =	shalt  }
0x51: {  	_ =	shalt  }
0x52: {  	_ =	shalt  }
0x53: {  	_ =	shalt  }
0x54: {  	_ =	shalt  }
0x55: {  	_ =	shalt  }
0x56: {  	_ =	shalt  }
0x57: {  	_ =	shalt  }
0x58: {  	_ =	shalt  }
0x59: {  	_ =	shalt  }
0x5a: {  	_ =	shalt  }
0x5b: {  	_ =	shalt  }
0x5c: {  	_ =	shalt  }
0x5d: {  	_ =	shalt  }
0x5e: {  	_ =	shalt  }
0x5f: {  	_ =	shalt  }
0x60: {  	_ =	shalt  }
0x61: {  	_ =	shalt  }
0x62: {  	_ =	shalt  }
0x63: {  	_ =	shalt  }
0x64: {  	_ =	shalt  }
0x65: {  	_ =	shalt  }
0x66: {  	_ =	shalt  }
0x67: {  	_ =	shalt  }
0x68: {  	_ =	shalt  }
0x69: {  	_ =	shalt  }
0x6a: {  	_ =	shalt  }
0x6b: {  	_ =	shalt  }
0x6c: {  	_ =	shalt  }
0x6d: {  	_ =	shalt  }
0x6e: {  	_ =	shalt  }
0x6f: {  	_ =	shalt  }
0x70: {  	_ =	shalt  }
0x71: {  	_ =	shalt  }
0x72: {  	_ =	shalt  }
0x73: {  	_ =	shalt  }
0x74: {  	_ =	shalt  }
0x75: {  	_ =	shalt  }
0x76: {  	_ =	shalt  }
0x77: {  	_ =	shalt  }
0x78: {  	_ =	shalt  }
0x79: {  	_ =	shalt  }
0x7a: {  	_ =	shalt  }
0x7b: {  	_ =	shalt  }
0x7c: {  	_ =	shalt  }
0x7d: {  	_ =	shalt  }
0x7e: {  	_ =	shalt  }
0x7f: {  	_ =	shalt  }
0x80: {  	_ =	shalt  }
0x81: {  	_ =	shalt  }
0x82: {  	_ =	shalt  }
0x83: {  	_ =	shalt  }
0x84: {  	_ =	shalt  }
0x85: {  	_ =	shalt  }
0x86: {  	_ =	shalt  }
0x87: {  	_ =	shalt  }
.Lfunc_end0:
.L_simem_size_0:
called_computation_lowered:
.L_overlay_start_0:
0x88: {  	s2 =	sld [smem:$0x3FD9]  }
0x89: {  	s3 =	sld [smem:$0x3FFE];
	_ =	sdelay $0x1  }
0x8a: {  	s1 =	srdreg.scid  }
0x8b: {  	s0 =	sand.u32 $0x1, s1  }
0x8c: {  	s17 =	sshll.u32 s0, $0xA;
	s2 =	sadd.s32 s3, s2  }
0x8d: {  	s2 =	sadd.s32 s2, s17  }
0x8e: {  	[smem:$0x3FC4] =	sst s2  }
0x8f: {  	_ = 	snop  }
0x90: {  	s2 =	sld [smem:$0x3FC7];
	(tm) =	ssettm $0x1  }
0x91: {  	s18 =	sld [smem:$0x3FFB];
	_ =	sdelay $0x3  }
0x92: {  	_ =	strace s18  }
0x93: {  	s3 =	sld [smem:$0x3FFC];
	_ =	sdelay $0x3  }
0x94: {  	_ =	strace s3  }
0x95: {  	s3 =	sld [smem:$0x3FFD];
	_ =	sdelay $0x3  }
0x96: {  	_ =	strace s3  }
0x97: {  	_ =	strace $0x8FFFFFFF  }
0x98: {  	s19 =	sld [smem:$0x3FDB];
	_ =	sdelay $0x1  }
0x99: {  	s4 =	simm.s32 $_scs_section_size  }
0x9a: {  	s5 =	simm.s32 $_size__tile_overlayer_lowered;
	s6 =	simm.s32 $_tile_overlayer_lowered  }
0x9b: {  	s22 =	simm.s32 $0x1BFF;
	s21 =	sshll.u32 s6, $0x1;
	s3 =	sadd.s32 s4, s19  }
0x9c: {  	s7 =	simm.s32 $0x0;
	s20 =	sshll.u32 s5, $0x1;
	s5 =	sadd.s32 s21, s3  }
0x9d: {  	[timem:s7], [sflag:s22] =	dma.local [hbm:s5], s20  }
0x9e: {  	_ =	swait.ge [sflag:s22], s20  }
0x9f: {  	s4 =	ssub.s32 $0x0, s20;
	[sflag:s22] =	ssyncset.done $0x0  }
0xa0: {  	[sflag:s22] =	ssyncadd.s32 s4;
	_ =	sdelay $0x1  }
0xa1: {  	s23 =	simm.s32 $0x1B8B  }
0xa2: {  	_ =	swait.ge [sflag:s23], $0x1  }
0xa3: {  	[sflag:s23] =	ssyncset.done $0x0  }
0xa4: {  	s25 =	simm.s32 $0x1B8E;
	s24 =	sld [smem:$0x3FFE];
	[sflag:s23] =	ssyncadd.s32 $0xFFFFFFFF  }
0xa5: {  	s26 =	simm.s32 $execute0_lowered;
	[smem:$0x3FD2] =	sst s25  }
0xa6: {  	s5 =	sshll.u32 s26, $0x1;
	_ =	strace $0x80000046;
	[dreg:$0x1] =	wrdreg $0xFFFFFFFF  }
0xa7: {  	s28 =	simm.s32 $_size_execute0_lowered;
	s3 =	sadd.s32 s3, s5;
	[dreg:$0x0] =	wrdreg $0x0  }
0xa8: {  	s5 =	sshll.u32 s28, $0x1;
	[dreg:$0x2] =	wrdreg s3  }
0xa9: {  	[dreg:$0x3] =	wrdreg s5  }
0xaa: {  	[dreg:$0x4] =	wrdreg $0xC0  }
0xab: {  	_ =	task [dreg:s7], $0x5FFFF  }
0xac: {  	[dreg:$0x1] =	wrdreg $0xFFFFFFFF  }
0xad: {  	[dreg:$0x0] =	wrdreg $0x60  }
0xae: {  	[dreg:$0x2] =	wrdreg s2  }
0xaf: {  	[dreg:$0x3] =	wrdreg s24  }
0xb0: {  	[dreg:$0x4] =	wrdreg $0x9  }
0xb1: {  	_ =	task.clear_ibuf [dreg:s7], $0x5FFFF;
	_ =	strace $0x90000046  }
0xb2: {  	s29 =	simm.s32 $0x9;
	_ =	strace $0x80000048  }
0xb3: {  	_ =	swait.ge [sflag:s29], $0x1  }
0xb4: {  	[sflag:s29] =	ssyncadd.s32 $0xFFFFFFFF  }
0xb5: {  	_ =	strace $0x90000048  }
0xb6: {  	_ =	sfence  }
0xb7: {  	s30 =	sld [smem:$0x0];
	_ =	sdelay $0x2  }
0xb8: {  	s31 =	sshll.u32 s1, $0xD;
	s1 =	sshrl.u32 s1, $0x2  }
0xb9: {  	s3 =	sand.u32 $0x4000, s31;
	s1 =	sadd.s32 s1, s30  }
0xba: {  	s0 =	sor.u32 s3, s0;
	s1 =	sshll.u32 s1, $0x11  }
0xbb: {  	s0 =	sor.u32 s1, s0  }
0xbc: {  	s0 =	sadd.s32 $0x8F2B, s0  }
0xbd: {  	[sflag:s0] =	ssyncadd.remote.s32 $0x1  }
0xbe: {  	_ =	sfence.sel $0xFFFF  }
0xbf: {  	[dreg:$0x0] =	wrdreg $0xFFFFFFFF;
	(pc) =	sbr.abs _section_cstart, $3  }
0xc0: {  	[dreg:$0x1] =	wrdreg $0xFFFFFFFF  }
0xc1: {  	_ =	task.clear_ibuf [dreg:s7], $0x2FFFF;
	_ =	strace $0x9FFFFFFF  }
0xc2: {  	(tm) =	ssettm $0x7FFFFFFF  }
0xc3: {  	_ =	shalt  }
tec
execute0_lowered:
.L_overlay_start_1:
0x0: {  	(tag) =	ssettag $0x1  }
0x1: {  	s4 =	rddreg [dreg:$0x0];
	s1 =	srdreg.scid  }
0x2: {  	s0 =	stileid.u32;
	s3 =	rddreg [dreg:$0x1];
	s11 =	simm.s32 $0x400  }
0x3: {  	s12 =	simm.s32 $0x7A80;
	s13 =	simm.s32 $0x2;
	s14 =	simm.s32 $0x8280  }
0x4: {  	s15 =	simm.s32 $0x0;
	s5 =	sand.u32 $0x1, s1;
	s2 =	sshll.u32 s0, $0x1  }
0x5: {  	s1 =	rddreg [dreg:$0x2];
	s6 =	sshll.u32 s0, $0x9;
	s31 =	smul.u32 $0xF420, s0  }
0x6: {  	s9 =	sor.u32 s5, s2;
	s2 =	simm.s32 $0x0;
	s28 =	ssub.s32 $0x2, s5  }
0x7: {  	s10 =	smul.u32 $0x7A10, s5;
	s7 =	sshll.u32 s9, $0x4;
	[smem:$0x7FF] =	sst s2  }
0x8: {  	s8 =	smul.u32 $0x7A10, s9;
	s29 =	sshrl.u32 s28, $0x1;
	p0 =	sne.s32 s9, $0x1F  }
.Ltmp0:
0x9: {  	s9 =	simm.s32 $0x1;
	s6 =	sor.u32 s6, s7;
	(pc) =	sbr.rel .LBB2_1-.Ltmp0, $4  }
0xa: {  	_ =	strace $0x80000047;
	s7 =	ssub.s32 s28, s29;
	s6 =	sand.u32 $0x1870, s6  }
0xb: {  	s30 =	sshrl.u32 s8, $0x3;
	s7 =	smax.u32 s7, $0x1;
	s8 =	sadd.s32 s10, s31  }
0xc: {  	s10 =	simm.s32 $0x80;
	s6 =	sadd.s32 s6, s3;
	s3 =	sadd.s32 s4, s30  }
0xd: {  	v0 =	vimm.f32 $-Inf;
	vm0 =	vcmask $0xF14;
	s4 =	sadd.s32 $0x1E840, s4;
	s5 =	sadd.s32 $0x1C00, s6;
	s6 =	sadd.s32 $0x3C00, s6  }
.LBB2_13:
0xe: {  	[hbm4b:s5+s10] =	stream.strided.scatter [tilespmem:s12], [sflag:$0x2], $0x800, s11, s10, $0x38;
	[tilespmem:$0x8C80] =	vst v63  }
0xf: {  	s15 =	sadd.s32 $0x1, s15;
	_ =	swait.ge [sflag:s13], $0x800  }
0x10: {  	p1 =	sne.s32 s15, s7;
	[sflag:s13] =	ssyncset.done $0x0  }
.Ltmp1:
0x11: {  	[sflag:s13] =	ssyncadd.s32 $0xFFFFF800;
	(pc) =	sbr.rel @!p1 .LBB2_14-.Ltmp1, $4  }
0x12: {  	[hbm4b:s6+s10] =	stream.strided.scatter [tilespmem:s14], [sflag:$0x2], $0x800, s11, s10, $0x38;
	[tilespmem:$0x8C80] =	vst v63  }
0x13: {  	_ =	swait.ge [sflag:s13], $0x800  }
0x14: {  	[sflag:s13] =	ssyncset.done $0x0  }
0x15: {  	[sflag:s13] =	ssyncadd.s32 $0xFFFFF800  }
.LBB2_1:
0x16: {  	[tilespmem:s2], [sflag:$0x1] =	stream.linear.gather [hbm4b:s3+s2], $0x7A10, $0x38;
	[tilespmem:$0x8C80] =	vst v63  }
0x17: {  	_ =	swait.ge [sflag:s9], $0x7A10  }
0x18: {  	[sflag:s9] =	ssyncset.done $0x0  }
0x19: {  	s16 =	simm.s32 @!p0 $0x0;
	s17 =	simm.s32 @!p0 $0x7A10;
	[sflag:s9] =	ssyncadd.s32 $0xFFFF85F0  }
0x1a: {  	[tilespmem:s17], [sflag:$0x1] =	stream.linear.gather @!p0 [hbm4b:s4+s16], $0x40, $0x38;
	[tilespmem:$0x8C80] =	vst v63  }
0x1b: {  	s16 =	simm.s32 @!p0 $0x1  }
0x1c: {  	_ =	swait.ge @!p0 [sflag:s16], $0x40  }
0x1d: {  	[sflag:s16] =	ssyncset.done @!p0 $0x0  }
0x1e: {  	[sflag:s16] =	ssyncadd.s32 @!p0 $0xFFFFFFC0;
	s16 =	simm.s32 @!p0 $0x20  }
0x1f: {  	v1 =	vimm.f32 $-Inf;
	s18 =	simm.s32 $0x0;
	s17 =	simm.s32 $0x0;
	s16 =	simm.s32 @p0 $0x1F  }
.LBB2_2:
0x20: {  	p1 =	seq.s32 s18, $0x1F;
	s19 =	simm.s32 $0x4  }
0x21: {  	s19 =	simm.s32 @!p1 $0x3F  }
0x22: {  	p1 =	sne.s32 s19, $0x1  }
.Ltmp2:
0x23: {  	_ = 	snop;
	(pc) =	sbr.rel @!p1 .LBB2_4-.Ltmp2, $2  }
0x24: {  	_ =	sdelay $0x2  }
0x25: {  	v2 =	vimm.f32 $-Inf;
	v3 =	vld [tilespmem:s17+$0x0];
	s20 =	smov.u32 s17;
	s19 =	sadd.s32 $0xFFFFFFFF, s19  }
.LBB2_3:
0x26: {  	p1 =	sne.s32 s19, $0x1  }
.Ltmp3:
0x27: {  	_ = 	snop;
	(pc) =	sbr.rel @p1 .LBB2_3-.Ltmp3, $3  }
0x28: {  	_ =	sdelay $0x1  }
0x29: {  	s19 =	sadd.s32 $0xFFFFFFFF, s19;
	s20 =	sadd.s32 $0x10, s20;
	v2 =	vmax.f32 v2, v3  }
0x2a: {  	v3 =	vld [tilespmem:s20+$0x0]  }
.LBB2_4:
0x2b: {  	s19 =	sshll.u32 s18, $0x6;
	s18 =	sadd.s32 $0x1, s18  }
0x2c: {  	p1 =	sne.s32 s18, s16  }
.Ltmp4:
0x2d: {  	_ = 	snop;
	(pc) =	sbr.rel @p1 .LBB2_2-.Ltmp4, $3  }
0x2e: {  	_ =	sdelay $0x1  }
0x2f: {  	s19 =	sshra.s32 s19, $0x2;
	v2 =	vmax.f32 v2, v3  }
0x30: {  	s17 =	sadd.s32 $0x3F0, s17;
	[tilespmem:s19+$0x8A80] =	vst v2;
	v1 =	vmax.f32 v1, v2  }
0x31: {  	s17 =	simm.s32 $0x40;
	s18 =	simm.s32 $0x0  }
.LBB2_6:
0x32: {  	p1 =	sne.s32 s17, $0x1FC0;
	[tilespmem:s18+$0x7A80] =	vst v0;
	s18 =	smov.u32 s17;
	s17 =	sadd.s32 $0x40, s17  }
.Ltmp5:
0x33: {  	(pc) =	sbr.rel @p1 .LBB2_6-.Ltmp5, $2  }
0x34: {  	_ =	sdelay $0x2  }
0x35: {  	s18 =	sshra.s32 s18, $0x2  }
0x36: {  	(xrf1) =	vsort.ascd.msk.f32 $0xffff, v1, v1;
	_ =	sdelay $0xd  }
0x37: {  	v1, _, _ =	vpop (xrf1)  }
0x38: {  	v1 =	vsel vm0, $0xFF800000, v1  }
0x39: {  	(xrf0) =	vmax.scan.msk.f32 $0xffff, v1;
	_ =	sdelay $0x5  }
0x3a: {  	v1, _, _ =	vpop (xrf0)  }
0x3b: {  	(v2sf) =	vpush v1, $0xF;
	_ =	sdelay $0xa  }
.Ltmp6:
0x3c: {  	_ = 	snop;
	(pc) =	sbr.rel .LBB2_8-.Ltmp6, $3  }
0x3d: {  	_ =	sdelay $0x1  }
0x3e: {  	[tilespmem:s18+$0x7A80] =	vst v0;
	s18 =	simm.s32 $0x0;
	s19 =	smov.u32 s8  }
0x3f: {  	s20 =	simm.s32 $0x0;
	s21 =	simm.s32 $0x0;
	s17 =	spop (v2sf)  }
.LBB2_11:
0x40: {  	[tilespmem:s25+$0x7A80] =	vst @p2 v1;
	v1 =	vor.u32 @p2 s23, v2  }
0x41: {  	[tilespmem:s25+$0x8280] =	vst @p2 v1  }
.LBB2_12:
0x42: {  	s21 =	sadd.s32 $0x1, s21  }
0x43: {  	p1 =	sne.s32 s21, s16  }
.Ltmp7:
0x44: {  	_ = 	snop;
	(pc) =	sbr.rel @!p1 .LBB2_13-.Ltmp7, $2  }
0x45: {  	_ =	sdelay $0x2  }
0x46: {  	s18 =	sadd.s32 $0x3F0, s18;
	s19 =	sadd.s32 $0x3F0, s19  }
.LBB2_8:
0x47: {  	s22 =	sshll.u32 s21, $0x6  }
0x48: {  	s22 =	sshra.s32 s22, $0x2  }
0x49: {  	v1 =	vld [tilespmem:s22+$0x8A80];
	_ =	sdelay $0x4  }
0x4a: {  	(xrf0) =	vmax.scan.msk.f32 $0xffff, v1;
	_ =	sdelay $0x5  }
0x4b: {  	v1, _, _ =	vpop (xrf0)  }
0x4c: {  	(v2sf) =	vpush v1, $0xF;
	_ =	sdelay $0xe  }
0x4d: {  	s31 =	spop (v2sf)  }
0x4e: {  	p1 =	sge.f32 s31, s17  }
.Ltmp8:
0x4f: {  	_ = 	snop;
	(pc) =	sbr.rel @!p1 .LBB2_12-.Ltmp8, $1  }
0x50: {  	_ =	sdelay $0x3  }
0x51: {  	v1 =	vld [tilespmem:s18+$0x0];
	_ =	sdelay $0x4  }
0x52: {  	(xrf0) =	vmax.scan.msk.f32 $0xffff, v1;
	_ =	sdelay $0x5  }
0x53: {  	v2, _, _ =	vpop (xrf0)  }
0x54: {  	(v2sf) =	vpush v2, $0xF;
	_ =	sdelay $0x9  }
0x55: {  	p1 =	seq.s32 s21, $0x1F;
	s22 =	simm.s32 $0x4  }
0x56: {  	s22 =	simm.s32 @!p1 $0x3F  }
0x57: {  	s22 =	sadd.s32 $0xFFFFFFFF, s22  }
0x58: {  	p3 =	sne.s32 s22, $0x0  }
.Ltmp9:
0x59: {  	_ = 	snop;
	(pc) =	sbr.rel @!p3 .LBB2_11-.Ltmp9, $4  }
0x5a: {  	s24 =	sadd.s32 $0x1, s20;
	s23 =	spop (v2sf)  }
0x5b: {  	p1 =	slt.s32 s24, $0x7F;
	p2 =	sge.f32 s23, s17  }
0x5c: {  	s24 =	simm.s32 @!p1 $0x7F;
	s23 =	smov.u32 s19  }
0x5d: {  	s25 =	sshll.u32 @p2 s20, $0x4;
	v2 =	vlaneseq.u32 @p2;
	s20 =	smov.u32 @p2 s24;
	s24 =	smov.u32 s18  }
.LBB2_10:
0x5e: {  	s22 =	sadd.s32 $0xFFFFFFFF, s22;
	[tilespmem:s25+$0x7A80] =	vst @p2 v1;
	v1 =	vor.u32 @p2 s23, v2;
	s24 =	sadd.s32 $0x10, s24;
	s23 =	sadd.s32 $0x10, s23  }
0x5f: {  	p1 =	sne.s32 s22, $0x0;
	[tilespmem:s25+$0x8280] =	vst @p2 v1  }
0x60: {  	v1 =	vld [tilespmem:s24+$0x0];
	_ =	sdelay $0x4  }
0x61: {  	(xrf0) =	vmax.scan.msk.f32 $0xffff, v1;
	_ =	sdelay $0x5  }
0x62: {  	v2, _, _ =	vpop (xrf0)  }
0x63: {  	(v2sf) =	vpush v2, $0xF;
	_ =	sdelay $0xd  }
.Ltmp10:
0x64: {  	(pc) =	sbr.rel @p1 .LBB2_10-.Ltmp10, $4  }
0x65: {  	s26 =	sadd.s32 $0x1, s20;
	s25 =	spop (v2sf)  }
0x66: {  	p3 =	slt.s32 s26, $0x7F;
	p2 =	sge.f32 s25, s17  }
0x67: {  	s26 =	simm.s32 @!p3 $0x7F  }
0x68: {  	s25 =	sshll.u32 @p2 s20, $0x4;
	v2 =	vlaneseq.u32 @p2;
	s20 =	smov.u32 @p2 s26  }
.Ltmp11:
0x69: {  	_ = 	snop;
	(pc) =	sbr.rel .LBB2_11-.Ltmp11, $1  }
0x6a: {  	_ =	sdelay $0x3  }
.LBB2_14:
0x6b: {  	_ =	sfence.sel $0x180000  }
0x6c: {  	[bflag:$0x0] =	sbarrier.arrive $0xFFFF  }
0x6d: {  	p0 =	sne.s32 s0, $0x0;
	_ =	strace $0x90000047  }
0x6e: {  	s0 =	sadd.s32 @!p0 $0x100000, s1;
	[bflag:$0x2] =	sbarrier.arrive $0xFFFF  }
0x6f: {  	[sflag:s0] =	ssyncadd.tile.s32 @!p0 $0x1;
	_ =	shalt  }
.Lfunc_end2:
_tile_overlayer_lowered:
.L_overlay_start_2:
0x70: {  	(tag) =	ssettag $0x2  }
0x71: {  	s0 =	rddreg [dreg:$0x0];
	s2 =	stileid.u32  }
0x72: {  	s1 =	rddreg [dreg:$0x1];
	p0 =	sne.s32 s2, $0x0  }
0x73: {  	s3 =	rddreg [dreg:$0x2];
	[bflag:$0x3] =	sbarrier.arrive $0xFFFF;
	s2 =	simm.s32 @!p0 $0x1C02  }
0x74: {  	[timem:s3], [sflag:s2] =	dma.local @!p0 [hbm:s0], s1  }
0x75: {  	s0 =	simm.s32 @!p0 $0x2  }
0x76: {  	_ =	swait.ge @!p0 [sflag:s0], s1  }
0x77: {  	s1 =	ssub.s32 @!p0 $0x0, s1;
	[sflag:s0] =	ssyncset.done @!p0 $0x0  }
0x78: {  	[sflag:s0] =	ssyncadd.s32 @!p0 s1  }
0x79: {  	[bflag:$0x3] =	sbarrier.arrive $0xFFFF  }
0x7a: {  	_ =	shalt  }

</sc_bundles>
